<compile_context>
chip_gen: v7x
topology: tpu7x:2x2x1
jax: 0.10.2.dev20260603
libtpu: 0.0.44.dev20260713+nightly
codegen_flags: <defaults>
</compile_context>

<pallas_src>
import dataclasses
import functools

import jax
import jax.numpy as jnp
from jax import lax
from jax.experimental import pallas as pl
from jax.experimental.pallas import tpu as pltpu
from jax.experimental.pallas import tpu_sc as plsc

N = 10000
D = 256
DH = 128
NE = 160000
NP = 10240
ACC_ROWS = 10112
ROWS_PT = 632
HB2 = 80
NB = 2
CHUNK = 128
CPT = 80
EPAD = 163840
TRASH = 10016
BR = 256
BR2 = 1264

def _mesh():
    return plsc.VectorSubcoreMesh(core_axis_name="c", subcore_axis_name="s")


def _pad_edges(e, fill):
    pad = jnp.full((EPAD - NE,), fill, jnp.int32)
    return jnp.concatenate([e.astype(jnp.int32), pad]).reshape(
        EPAD // CHUNK, CHUNK)


def _hist_body(edges, zeros_hbm, deg_out, idxv, ridx, sb, hist):
    c = lax.axis_index("c")
    s = lax.axis_index("s")
    iota = lax.iota(jnp.int32, 16)
    ones_v = jnp.full((16,), 1.0, jnp.float32)
    zeros_v = jnp.zeros((16,), jnp.float32)
    pltpu.sync_copy(zeros_hbm, sb)
    for side in range(2):
        @pl.when(s < 10)
        def _():
            pltpu.sync_copy(zeros_hbm.at[pl.ds(0, 8)],
                            hist.at[pl.ds(s * 8, 8)])

        pltpu.sync_copy(edges.at[c, side, pl.ds(s * CPT, CPT)], idxv)

        @pl.loop(0, CPT)
        def _(j):
            for u in range(8):
                b = idxv[j, pl.ds(u * 16, 16)]
                ridx[j, pl.ds(u * 16, 16)] = lax.shift_right_logical(b, 7)

        plsc.subcore_barrier()

        @pl.loop(0, CPT)
        def _(j):
            for u in range(8):
                b = idxv[j, pl.ds(u * 16, 16)]
                rows = iota + (u * 16)
                lanes = lax.bitwise_and(b, 127)
                plsc.store_scatter(sb, [rows, lanes], ones_v)
            pltpu.sync_copy(sb, hist.at[ridx.at[j]], add=True)
            for u in range(8):
                b = idxv[j, pl.ds(u * 16, 16)]
                rows = iota + (u * 16)
                lanes = lax.bitwise_and(b, 127)
                plsc.store_scatter(sb, [rows, lanes], zeros_v)

        plsc.subcore_barrier()

        @pl.when(s < 10)
        def _():
            pltpu.sync_copy(hist.at[pl.ds(s * 8, 8)],
                            deg_out.at[c, side, pl.ds(s * 8, 8)])

        if side == 0:
            plsc.subcore_barrier()


def _no_layout_passes():
    cp = pltpu.CompilerParams()
    if "needs_layout_passes" in pltpu.CompilerParams.__dataclass_fields__:
        cp = dataclasses.replace(cp, needs_layout_passes=False)
    return cp


def _sc_hist(edges):
    zerosh = jnp.zeros((CHUNK, CHUNK), jnp.float32)
    fn = pl.kernel(
        _hist_body,
        mesh=_mesh(),
        compiler_params=_no_layout_passes(),
        out_type=jax.ShapeDtypeStruct((2, 2, HB2, CHUNK), jnp.float32),
        scratch_types=[
            pltpu.VMEM((CPT, CHUNK), jnp.int32),
            pltpu.VMEM((CPT, CHUNK), jnp.int32),
            pltpu.VMEM((CHUNK, CHUNK), jnp.float32),
            pltpu.VMEM_SHARED((HB2, CHUNK), jnp.float32),
        ],
    )
    return fn(edges, zerosh)


def _scale_body(x_ref, dsrc_ref, xs_ref):
    r = lax.rsqrt(jnp.maximum(dsrc_ref[0, 0, :, 0:1], 1.0))
    y = x_ref[0] * r
    xs_ref[0, 0] = y[:, :DH]
    xs_ref[0, 1] = y[:, DH:]


def _tc_scale(xstk, deg):
    return pl.pallas_call(
        _scale_body,
        grid=(4, NP // BR),
        in_specs=[
            pl.BlockSpec((1, BR, D), lambda k, i: (k % 2, i, 0)),
            pl.BlockSpec((1, 1, BR, 16), lambda k, i: (k // 2, k % 2, i, 0)),
        ],
        out_specs=pl.BlockSpec((1, 2, BR, DH), lambda k, i: (k, 0, i, 0)),
        out_shape=jax.ShapeDtypeStruct((4, 2, NP, DH), jnp.float32),
    )(xstk, deg)


EPC = EPAD // CHUNK


def _agg_body(xs, goff, sidx, zeros_hbm, agg_out, gv, sv, rb, acc):
    c = lax.axis_index("c")
    s = lax.axis_index("s")
    r0 = s * ROWS_PT

    @pl.loop(0, 4)
    def _(k):
        pltpu.sync_copy(zeros_hbm, acc.at[pl.ds(r0, ROWS_PT)])
        pltpu.sync_copy(goff.at[pl.ds((k * 2 + c) * EPC + s * CPT, CPT)], gv)
        pltpu.sync_copy(sidx.at[pl.ds(k * EPC + s * CPT, CPT)], sv)
        plsc.subcore_barrier()

        @pl.loop(0, CPT)
        def _(j):
            pltpu.sync_copy(xs.at[gv.at[j]], rb)
            pltpu.sync_copy(rb, acc.at[sv.at[j]], add=True)

        plsc.subcore_barrier()
        pltpu.sync_copy(
            acc.at[pl.ds(r0, ROWS_PT)],
            agg_out.at[pl.ds((k * 2 + c) * ACC_ROWS + r0, ROWS_PT)])


def _sc_agg(xs_flat, goff, sidx):
    zerosh = jnp.zeros((ROWS_PT, DH), jnp.float32)
    fn = pl.kernel(
        _agg_body,
        mesh=_mesh(),
        out_type=jax.ShapeDtypeStruct((4 * 2 * ACC_ROWS, DH), jnp.float32),
        scratch_types=[
            pltpu.VMEM((CPT, CHUNK), jnp.int32),
            pltpu.VMEM((CPT, CHUNK), jnp.int32),
            pltpu.VMEM((CHUNK, DH), jnp.float32),
            pltpu.VMEM_SHARED((ACC_ROWS, DH), jnp.float32),
        ],
    )
    return fn(xs_flat, goff, sidx, zerosh)


def _mm_body(agg_ref, w_ref, b_ref, dd_ref, o_ref):
    a = jnp.concatenate([agg_ref[0, 0], agg_ref[0, 1]], axis=1)
    y = jnp.dot(a, w_ref[0], preferred_element_type=jnp.float32)
    r = lax.rsqrt(jnp.maximum(dd_ref[0, 0, :, 0:1], 1.0))
    o_ref[0] = y * r + b_ref[0]


def _tc_matmul(agg, wstk, bstk, deg):
    return pl.pallas_call(
        _mm_body,
        grid=(4, ACC_ROWS // BR2),
        in_specs=[
            pl.BlockSpec((1, 2, BR2, DH), lambda k, i: (k, 0, i, 0)),
            pl.BlockSpec((1, D, D), lambda k, i: (k, 0, 0)),
            pl.BlockSpec((1, 1, D), lambda k, i: (k, 0, 0)),
            pl.BlockSpec((1, 1, BR2, 16),
                         lambda k, i: (k // 2, 1 - k % 2, i, 0)),
        ],
        out_specs=pl.BlockSpec((1, BR2, D), lambda k, i: (k, i, 0)),
        out_shape=jax.ShapeDtypeStruct((4, ACC_ROWS, D), jnp.float32),
    )(agg, wstk, bstk, deg)


def kernel(user_emb, item_emb, edge_play_ori, edge_play_csr, W1, b1, W2, b2):
    so = _pad_edges(edge_play_ori[0], TRASH)
    do = _pad_edges(edge_play_ori[1], TRASH)
    sc = _pad_edges(edge_play_csr[0], TRASH)
    dc = _pad_edges(edge_play_csr[1], TRASH)
    so0 = _pad_edges(edge_play_ori[0], 0)
    do0 = _pad_edges(edge_play_ori[1], 0)
    sc0 = _pad_edges(edge_play_csr[0], 0)
    dc0 = _pad_edges(edge_play_csr[1], 0)

    edges_hist = jnp.stack(
        [jnp.stack([so, do]), jnp.stack([sc, dc])])
    deg2 = _sc_hist(edges_hist)
    deg = jnp.broadcast_to(deg2.reshape(2, 2, NP, 1),
                           (2, 2, NP, 16))

    xstk = jnp.stack([
        jnp.pad(user_emb, ((0, NP - N), (0, 0))),
        jnp.pad(item_emb, ((0, NP - N), (0, 0))),
    ])
    xs4 = _tc_scale(xstk, deg)

    gidx = jnp.stack([so, do, sc, dc])
    off = (2 * jnp.arange(4, dtype=jnp.int32)[:, None]
           + jnp.arange(2, dtype=jnp.int32)[None, :]) * NP
    goff = gidx[:, None] + off[:, :, None, None]
    sidx = jnp.stack([do0, so0, dc0, sc0])

    agg = _sc_agg(xs4.reshape(4 * 2 * NP, DH),
                  goff.reshape(4 * 2 * EPC, CHUNK),
                  sidx.reshape(4 * EPC, CHUNK))
    agg = agg.reshape(4, 2, ACC_ROWS, DH)

    wstk = jnp.stack([W1, W1, W2, W2])
    bstk = jnp.stack([b1, b1, b2, b2]).reshape(4, 1, D)
    out = _tc_matmul(agg, wstk, bstk, deg[:, :, :ACC_ROWS])

    return (out[0, :N], out[1, :N], out[2, :N], out[3, :N])

# --- scband reference (transcript-rebuilt; emitter-appended) ---
"""Pipeline reference for scband-my-graph-conv-model-3332894622662 (READ-ONLY COPY).

The authoritative reference and input builder live on the scoring server;
editing this copy changes nothing except your own understanding.
"""

import jax, jax.numpy as jnp
import numpy as np

N_USERS = 10000
N_ITEMS = 10000
N_EDGES = 160000
D = 256


def _graph_conv(x_src, src, dst, n_src, n_dst, W, b):
    # DGL GraphConv with norm='both', allow_zero_in_degree=True:
    #   h = D_in^{-1/2} * A * (D_out^{-1/2} * x) @ W + b, degrees clamped to min 1
    ones = jnp.ones(src.shape[0], dtype=jnp.float32)
    deg_out = jnp.maximum(jax.ops.segment_sum(ones, src, num_segments=n_src), 1.0)
    deg_in = jnp.maximum(jax.ops.segment_sum(ones, dst, num_segments=n_dst), 1.0)
    h = x_src * (deg_out ** -0.5)[:, None]
    msgs = jnp.take(h, src, axis=0)
    agg = jax.ops.segment_sum(msgs, dst, num_segments=n_dst)
    agg = agg * (deg_in ** -0.5)[:, None]
    return agg @ W + b


def setup_inputs(seed: int = 0) -> dict:
    key = jax.random.key(seed)
    k1, k2, k3, k4, k5, k6 = jax.random.split(key, 6)
    user_emb = jax.random.normal(k1, (N_USERS, D), dtype=jnp.float32)
    item_emb = jax.random.normal(k2, (N_ITEMS, D), dtype=jnp.float32)
    edge_play_ori = jax.random.randint(k3, (2, N_EDGES), 0, N_USERS, dtype=jnp.int32)
    edge_play_csr = jax.random.randint(k4, (2, N_EDGES), 0, N_USERS, dtype=jnp.int32)
    W1 = jax.random.normal(k5, (D, D), dtype=jnp.float32) * (D ** -0.5)
    b1 = jnp.zeros((D,), dtype=jnp.float32)
    W2 = jax.random.normal(k6, (D, D), dtype=jnp.float32) * (D ** -0.5)
    b2 = jnp.zeros((D,), dtype=jnp.float32)
    return {
        'user_emb': user_emb,
        'item_emb': item_emb,
        'edge_play_ori': edge_play_ori,
        'edge_play_csr': edge_play_csr,
        'W1': W1,
        'b1': b1,
        'W2': W2,
        'b2': b2,
    }


def reference(user_emb, item_emb, edge_play_ori, edge_play_csr, W1, b1, W2, b2):
    # graph_ori['play']: user -> item edges; graph_ori['played by']: reversed
    src_p, dst_p = edge_play_ori[0], edge_play_ori[1]
    # conv1 on 'play' with user features -> item-side output
    h_ori_user = _graph_conv(user_emb, src_p, dst_p, N_USERS, N_ITEMS, W1, b1)
    # conv1 on 'played by' (reverse edges) with item features -> user-side output
    h_ori_game = _graph_conv(item_emb, dst_p, src_p, N_ITEMS, N_USERS, W1, b1)
    src_c, dst_c = edge_play_csr[0], edge_play_csr[1]
    h_contrast_user = _graph_conv(user_emb, src_c, dst_c, N_USERS, N_ITEMS, W2, b2)
    h_contrast_game = _graph_conv(item_emb, dst_c, src_c, N_ITEMS, N_USERS, W2, b2)
    return (h_ori_user, h_ori_game, h_contrast_user, h_contrast_game)

if __name__ == "__main__":
    import jax
    _d = setup_inputs()
    print(jax.jit(kernel)(*tuple(_d.values())))

</pallas_src>

<mosaic_0001>
#map = affine_map<(d0, d1) -> (0, 0, 0, 0)>
#map1 = affine_map<(d0, d1) -> (0, 0)>
module attributes {stable_mosaic.version = 14 : i64} {
  func.func @_hist_body(%arg0: i32, %arg1: i32, %arg2: memref<2x2x1280x128xi32, #tpu.memory_space<hbm>>, %arg3: memref<128x128xf32, #tpu.memory_space<hbm>>, %arg4: memref<2x2x80x128xf32, #tpu.memory_space<hbm>>, %arg5: memref<80x128xi32, #tpu.memory_space<vmem>>, %arg6: memref<80x128xi32, #tpu.memory_space<vmem>>, %arg7: memref<128x128xf32, #tpu.memory_space<vmem>>, %arg8: memref<80x128xf32, #tpu.memory_space<vmem_shared>>) attributes {dimension_semantics = [#tpu.dimension_semantics<core_parallel>, #tpu.dimension_semantics<subcore_parallel>], iteration_bounds = array<i64: 2, 16>, scalar_prefetch = 0 : i64, scratch_operands = 4 : i64, tpu.core_type = #tpu.core_type<sc_vector_subcore>, window_params = [{transform_indices = #map}, {transform_indices = #map1}, {transform_indices = #map}]} {
    %iota3A = tpu.iota {dimensions = array<i32: 0>} : vector<16xi32>
    %broadcast_in_dim3A = arith.constant 1.000000e+00 : f32
    %broadcast_in_dim3A_0 = vector.broadcast %broadcast_in_dim3A : f32 to vector<16xf32>
    %broadcast_in_dim3A_1 = arith.constant 0.000000e+00 : f32
    %broadcast_in_dim3A_2 = vector.broadcast %broadcast_in_dim3A_1 : f32 to vector<16xf32>
    "tpu.region"() ({
      %run_scoped3A_47 = tpu.sem_alloc : memref<!tpu.dma_semaphore, #tpu.memory_space<semaphore_mem>>
      tpu.enqueue_dma source(%arg3 : memref<128x128xf32, #tpu.memory_space<hbm>>) target(%arg7 : memref<128x128xf32, #tpu.memory_space<vmem>>) target_semaphore(%run_scoped3A_47 : memref<!tpu.dma_semaphore, #tpu.memory_space<semaphore_mem>>)
      tpu.wait_dma2 semaphore(%run_scoped3A_47 : memref<!tpu.dma_semaphore, #tpu.memory_space<semaphore_mem>>) src(%arg3 : memref<128x128xf32, #tpu.memory_space<hbm>>) dst(%arg7 : memref<128x128xf32, #tpu.memory_space<vmem>>)
      tpu.yield
    }) : () -> ()
    %lt3A = arith.constant 10 : i32
    %lt3A_3 = arith.cmpi slt, %arg1, %lt3A : i32
    %convert_element_type3A = arith.extui %lt3A_3 : i1 to i32
    %cond3A = arith.constant 0 : i32
    %cond3A_4 = arith.cmpi ne, %convert_element_type3A, %cond3A : i32
    scf.if %cond3A_4 {
      %mul3A_47 = arith.constant 8 : i32
      %mul3A_48 = arith.muli %arg1, %mul3A_47 : i32
      "tpu.region"() ({
        %run_scoped3A_49 = tpu.sem_alloc : memref<!tpu.dma_semaphore, #tpu.memory_space<semaphore_mem>>
        %dma_start3A = arith.constant 0 : i32
        %dma_start3A_50 = tpu.memref_slice %arg8[%mul3A_48, %dma_start3A] : memref<80x128xf32, #tpu.memory_space<vmem_shared>> -> memref<8x128xf32, #tpu.memory_space<vmem_shared>>
        %dma_start3A_51 = arith.constant 0 : i32
        %dma_start3A_52 = arith.constant 0 : i32
        %dma_start3A_53 = tpu.memref_slice %arg3[%dma_start3A_51, %dma_start3A_52] : memref<128x128xf32, #tpu.memory_space<hbm>> -> memref<8x128xf32, #tpu.memory_space<hbm>>
        tpu.enqueue_dma source(%dma_start3A_53 : memref<8x128xf32, #tpu.memory_space<hbm>>) target(%dma_start3A_50 : memref<8x128xf32, #tpu.memory_space<vmem_shared>>) target_semaphore(%run_scoped3A_49 : memref<!tpu.dma_semaphore, #tpu.memory_space<semaphore_mem>>)
        %dma_wait3A = arith.constant 0 : i32
        %dma_wait3A_54 = tpu.memref_slice %arg8[%mul3A_48, %dma_wait3A] : memref<80x128xf32, #tpu.memory_space<vmem_shared>> -> memref<8x128xf32, #tpu.memory_space<vmem_shared>>
        %dma_wait3A_55 = arith.constant 0 : i32
        %dma_wait3A_56 = arith.constant 0 : i32
        %dma_wait3A_57 = tpu.memref_slice %arg3[%dma_wait3A_55, %dma_wait3A_56] : memref<128x128xf32, #tpu.memory_space<hbm>> -> memref<8x128xf32, #tpu.memory_space<hbm>>
        tpu.wait_dma2 semaphore(%run_scoped3A_49 : memref<!tpu.dma_semaphore, #tpu.memory_space<semaphore_mem>>) src(%dma_wait3A_57 : memref<8x128xf32, #tpu.memory_space<hbm>>) dst(%dma_wait3A_54 : memref<8x128xf32, #tpu.memory_space<vmem_shared>>)
        tpu.yield
      }) : () -> ()
    } else {
    }
    %mul3A = arith.constant 80 : i32
    %mul3A_5 = arith.muli %arg1, %mul3A : i32
    %run_scoped3A = arith.constant 0 : i32
    "tpu.region"() ({
      %run_scoped3A_47 = tpu.sem_alloc : memref<!tpu.dma_semaphore, #tpu.memory_space<semaphore_mem>>
      %dma_start3A = arith.constant 0 : i32
      %dma_start3A_48 = tpu.memref_slice %arg2[%arg0, %run_scoped3A, %mul3A_5, %dma_start3A] : memref<2x2x1280x128xi32, #tpu.memory_space<hbm>> -> memref<1x1x80x128xi32, #tpu.memory_space<hbm>>
      %dma_start3A_49 = tpu.memref_squeeze %dma_start3A_48 : memref<1x1x80x128xi32, #tpu.memory_space<hbm>> -> memref<80x128xi32, #tpu.memory_space<hbm>>
      %dma_start3A_50 = arith.constant 0 : i32
      %dma_start3A_51 = tpu.memref_slice %arg2[%arg0, %run_scoped3A, %mul3A_5, %dma_start3A_50] : memref<2x2x1280x128xi32, #tpu.memory_space<hbm>> -> memref<1x1x80x128xi32, #tpu.memory_space<hbm>>
      %dma_start3A_52 = tpu.memref_squeeze %dma_start3A_51 : memref<1x1x80x128xi32, #tpu.memory_space<hbm>> -> memref<80x128xi32, #tpu.memory_space<hbm>>
      tpu.enqueue_dma source(%dma_start3A_52 : memref<80x128xi32, #tpu.memory_space<hbm>>) target(%arg5 : memref<80x128xi32, #tpu.memory_space<vmem>>) target_semaphore(%run_scoped3A_47 : memref<!tpu.dma_semaphore, #tpu.memory_space<semaphore_mem>>)
      %dma_wait3A = arith.constant 0 : i32
      %dma_wait3A_53 = tpu.memref_slice %arg2[%arg0, %run_scoped3A, %mul3A_5, %dma_wait3A] : memref<2x2x1280x128xi32, #tpu.memory_space<hbm>> -> memref<1x1x80x128xi32, #tpu.memory_space<hbm>>
      %dma_wait3A_54 = tpu.memref_squeeze %dma_wait3A_53 : memref<1x1x80x128xi32, #tpu.memory_space<hbm>> -> memref<80x128xi32, #tpu.memory_space<hbm>>
      %dma_wait3A_55 = arith.constant 0 : i32
      %dma_wait3A_56 = tpu.memref_slice %arg2[%arg0, %run_scoped3A, %mul3A_5, %dma_wait3A_55] : memref<2x2x1280x128xi32, #tpu.memory_space<hbm>> -> memref<1x1x80x128xi32, #tpu.memory_space<hbm>>
      %dma_wait3A_57 = tpu.memref_squeeze %dma_wait3A_56 : memref<1x1x80x128xi32, #tpu.memory_space<hbm>> -> memref<80x128xi32, #tpu.memory_space<hbm>>
      tpu.wait_dma2 semaphore(%run_scoped3A_47 : memref<!tpu.dma_semaphore, #tpu.memory_space<semaphore_mem>>) src(%dma_wait3A_57 : memref<80x128xi32, #tpu.memory_space<hbm>>) dst(%arg5 : memref<80x128xi32, #tpu.memory_space<vmem>>)
      tpu.yield
    }) : () -> ()
    %scan3A = arith.constant 0 : i32
    %scan3A_6 = arith.constant 80 : i32
    %scan3A_7 = arith.addi %scan3A, %scan3A_6 : i32
    %scan3A_8 = arith.constant 1 : i32
    scf.for %scan3A_47 = %scan3A to %scan3A_7 step %scan3A_8  : i32 {
      %mul3A_48 = arith.constant 1 : i32
      %mul3A_49 = arith.muli %scan3A_47, %mul3A_48 : i32
      %add3A = arith.constant 0 : i32
      %add3A_50 = arith.addi %add3A, %mul3A_49 : i32
      %get3A = arith.index_cast %add3A_50 : i32 to index
      %get3A_51 = arith.constant 0 : index
      %get3A_52 = tpu.vector_load %arg5[%get3A, %get3A_51] {strides = array<i32>} : memref<80x128xi32, #tpu.memory_space<vmem>>, vector<16xi32>,
      %shift_right_logical3A = arith.constant 7 : i32
      %shift_right_logical3A_53 = vector.broadcast %shift_right_logical3A : i32 to vector<16xi32>
      %shift_right_logical3A_54 = arith.shrui %get3A_52, %shift_right_logical3A_53 : vector<16xi32>
      %swap3A = arith.index_cast %add3A_50 : i32 to index
      %swap3A_55 = arith.constant 0 : index
      %swap3A_56 = tpu.vector_load %arg6[%swap3A, %swap3A_55] {strides = array<i32>} : memref<80x128xi32, #tpu.memory_space<vmem>>, vector<16xi32>,
      tpu.vector_store %arg6[%swap3A, %swap3A_55], %shift_right_logical3A_54 {strides = array<i32>} : memref<80x128xi32, #tpu.memory_space<vmem>>, vector<16xi32>,
      %get3A_57 = arith.index_cast %add3A_50 : i32 to index
      %get3A_58 = arith.constant 16 : index
      %get3A_59 = tpu.vector_load %arg5[%get3A_57, %get3A_58] {strides = array<i32>} : memref<80x128xi32, #tpu.memory_space<vmem>>, vector<16xi32>,
      %shift_right_logical3A_60 = arith.constant 7 : i32
      %shift_right_logical3A_61 = vector.broadcast %shift_right_logical3A_60 : i32 to vector<16xi32>
      %shift_right_logical3A_62 = arith.shrui %get3A_59, %shift_right_logical3A_61 : vector<16xi32>
      %swap3A_63 = arith.index_cast %add3A_50 : i32 to index
      %swap3A_64 = arith.constant 16 : index
      %swap3A_65 = tpu.vector_load %arg6[%swap3A_63, %swap3A_64] {strides = array<i32>} : memref<80x128xi32, #tpu.memory_space<vmem>>, vector<16xi32>,
      tpu.vector_store %arg6[%swap3A_63, %swap3A_64], %shift_right_logical3A_62 {strides = array<i32>} : memref<80x128xi32, #tpu.memory_space<vmem>>, vector<16xi32>,
      %get3A_66 = arith.index_cast %add3A_50 : i32 to index
      %get3A_67 = arith.constant 32 : index
      %get3A_68 = tpu.vector_load %arg5[%get3A_66, %get3A_67] {strides = array<i32>} : memref<80x128xi32, #tpu.memory_space<vmem>>, vector<16xi32>,
      %shift_right_logical3A_69 = arith.constant 7 : i32
      %shift_right_logical3A_70 = vector.broadcast %shift_right_logical3A_69 : i32 to vector<16xi32>
      %shift_right_logical3A_71 = arith.shrui %get3A_68, %shift_right_logical3A_70 : vector<16xi32>
      %swap3A_72 = arith.index_cast %add3A_50 : i32 to index
      %swap3A_73 = arith.constant 32 : index
      %swap3A_74 = tpu.vector_load %arg6[%swap3A_72, %swap3A_73] {strides = array<i32>} : memref<80x128xi32, #tpu.memory_space<vmem>>, vector<16xi32>,
      tpu.vector_store %arg6[%swap3A_72, %swap3A_73], %shift_right_logical3A_71 {strides = array<i32>} : memref<80x128xi32, #tpu.memory_space<vmem>>, vector<16xi32>,
      %get3A_75 = arith.index_cast %add3A_50 : i32 to index
      %get3A_76 = arith.constant 48 : index
      %get3A_77 = tpu.vector_load %arg5[%get3A_75, %get3A_76] {strides = array<i32>} : memref<80x128xi32, #tpu.memory_space<vmem>>, vector<16xi32>,
      %shift_right_logical3A_78 = arith.constant 7 : i32
      %shift_right_logical3A_79 = vector.broadcast %shift_right_logical3A_78 : i32 to vector<16xi32>
      %shift_right_logical3A_80 = arith.shrui %get3A_77, %shift_right_logical3A_79 : vector<16xi32>
      %swap3A_81 = arith.index_cast %add3A_50 : i32 to index
      %swap3A_82 = arith.constant 48 : index
      %swap3A_83 = tpu.vector_load %arg6[%swap3A_81, %swap3A_82] {strides = array<i32>} : memref<80x128xi32, #tpu.memory_space<vmem>>, vector<16xi32>,
      tpu.vector_store %arg6[%swap3A_81, %swap3A_82], %shift_right_logical3A_80 {strides = array<i32>} : memref<80x128xi32, #tpu.memory_space<vmem>>, vector<16xi32>,
      %get3A_84 = arith.index_cast %add3A_50 : i32 to index
      %get3A_85 = arith.constant 64 : index
      %get3A_86 = tpu.vector_load %arg5[%get3A_84, %get3A_85] {strides = array<i32>} : memref<80x128xi32, #tpu.memory_space<vmem>>, vector<16xi32>,
      %shift_right_logical3A_87 = arith.constant 7 : i32
      %shift_right_logical3A_88 = vector.broadcast %shift_right_logical3A_87 : i32 to vector<16xi32>
      %shift_right_logical3A_89 = arith.shrui %get3A_86, %shift_right_logical3A_88 : vector<16xi32>
      %swap3A_90 = arith.index_cast %add3A_50 : i32 to index
      %swap3A_91 = arith.constant 64 : index
      %swap3A_92 = tpu.vector_load %arg6[%swap3A_90, %swap3A_91] {strides = array<i32>} : memref<80x128xi32, #tpu.memory_space<vmem>>, vector<16xi32>,
      tpu.vector_store %arg6[%swap3A_90, %swap3A_91], %shift_right_logical3A_89 {strides = array<i32>} : memref<80x128xi32, #tpu.memory_space<vmem>>, vector<16xi32>,
      %get3A_93 = arith.index_cast %add3A_50 : i32 to index
      %get3A_94 = arith.constant 80 : index
      %get3A_95 = tpu.vector_load %arg5[%get3A_93, %get3A_94] {strides = array<i32>} : memref<80x128xi32, #tpu.memory_space<vmem>>, vector<16xi32>,
      %shift_right_logical3A_96 = arith.constant 7 : i32
      %shift_right_logical3A_97 = vector.broadcast %shift_right_logical3A_96 : i32 to vector<16xi32>
      %shift_right_logical3A_98 = arith.shrui %get3A_95, %shift_right_logical3A_97 : vector<16xi32>
      %swap3A_99 = arith.index_cast %add3A_50 : i32 to index
      %swap3A_100 = arith.constant 80 : index
      %swap3A_101 = tpu.vector_load %arg6[%swap3A_99, %swap3A_100] {strides = array<i32>} : memref<80x128xi32, #tpu.memory_space<vmem>>, vector<16xi32>,
      tpu.vector_store %arg6[%swap3A_99, %swap3A_100], %shift_right_logical3A_98 {strides = array<i32>} : memref<80x128xi32, #tpu.memory_space<vmem>>, vector<16xi32>,
      %get3A_102 = arith.index_cast %add3A_50 : i32 to index
      %get3A_103 = arith.constant 96 : index
      %get3A_104 = tpu.vector_load %arg5[%get3A_102, %get3A_103] {strides = array<i32>} : memref<80x128xi32, #tpu.memory_space<vmem>>, vector<16xi32>,
      %shift_right_logical3A_105 = arith.constant 7 : i32
      %shift_right_logical3A_106 = vector.broadcast %shift_right_logical3A_105 : i32 to vector<16xi32>
      %shift_right_logical3A_107 = arith.shrui %get3A_104, %shift_right_logical3A_106 : vector<16xi32>
      %swap3A_108 = arith.index_cast %add3A_50 : i32 to index
      %swap3A_109 = arith.constant 96 : index
      %swap3A_110 = tpu.vector_load %arg6[%swap3A_108, %swap3A_109] {strides = array<i32>} : memref<80x128xi32, #tpu.memory_space<vmem>>, vector<16xi32>,
      tpu.vector_store %arg6[%swap3A_108, %swap3A_109], %shift_right_logical3A_107 {strides = array<i32>} : memref<80x128xi32, #tpu.memory_space<vmem>>, vector<16xi32>,
      %get3A_111 = arith.index_cast %add3A_50 : i32 to index
      %get3A_112 = arith.constant 112 : index
      %get3A_113 = tpu.vector_load %arg5[%get3A_111, %get3A_112] {strides = array<i32>} : memref<80x128xi32, #tpu.memory_space<vmem>>, vector<16xi32>,
      %shift_right_logical3A_114 = arith.constant 7 : i32
      %shift_right_logical3A_115 = vector.broadcast %shift_right_logical3A_114 : i32 to vector<16xi32>
      %shift_right_logical3A_116 = arith.shrui %get3A_113, %shift_right_logical3A_115 : vector<16xi32>
      %swap3A_117 = arith.index_cast %add3A_50 : i32 to index
      %swap3A_118 = arith.constant 112 : index
      %swap3A_119 = tpu.vector_load %arg6[%swap3A_117, %swap3A_118] {strides = array<i32>} : memref<80x128xi32, #tpu.memory_space<vmem>>, vector<16xi32>,
      tpu.vector_store %arg6[%swap3A_117, %swap3A_118], %shift_right_logical3A_116 {strides = array<i32>} : memref<80x128xi32, #tpu.memory_space<vmem>>, vector<16xi32>,
    }
    %scan3A_9 = arith.constant 80 : i32
    %barrier3A = arith.constant 0 : index
    tpu.barrier barrier_id(%barrier3A)
    %scan3A_10 = arith.constant 0 : i32
    %scan3A_11 = arith.constant 80 : i32
    %scan3A_12 = arith.addi %scan3A_10, %scan3A_11 : i32
    %scan3A_13 = arith.constant 1 : i32
    scf.for %scan3A_47 = %scan3A_10 to %scan3A_12 step %scan3A_13  : i32 {
      %mul3A_48 = arith.constant 1 : i32
      %mul3A_49 = arith.muli %scan3A_47, %mul3A_48 : i32
      %add3A = arith.constant 0 : i32
      %add3A_50 = arith.addi %add3A, %mul3A_49 : i32
      %get3A = arith.index_cast %add3A_50 : i32 to index
      %get3A_51 = arith.constant 0 : index
      %get3A_52 = tpu.vector_load %arg5[%get3A, %get3A_51] {strides = array<i32>} : memref<80x128xi32, #tpu.memory_space<vmem>>, vector<16xi32>,
      %add3A_53 = arith.constant 0 : i32
      %add3A_54 = vector.broadcast %add3A_53 : i32 to vector<16xi32>
      %add3A_55 = arith.addi %iota3A, %add3A_54 : vector<16xi32>
      %and3A = arith.constant 127 : i32
      %and3A_56 = vector.broadcast %and3A : i32 to vector<16xi32>
      %and3A_57 = arith.andi %get3A_52, %and3A_56 : vector<16xi32>
      tpu.vector_store_idx %arg7[%add3A_55, %and3A_57], %broadcast_in_dim3A_0 : memref<128x128xf32, #tpu.memory_space<vmem>>[vector<16xi32>, vector<16xi32>], vector<16xf32>,
      %get3A_58 = arith.index_cast %add3A_50 : i32 to index
      %get3A_59 = arith.constant 16 : index
      %get3A_60 = tpu.vector_load %arg5[%get3A_58, %get3A_59] {strides = array<i32>} : memref<80x128xi32, #tpu.memory_space<vmem>>, vector<16xi32>,
      %add3A_61 = arith.constant 16 : i32
      %add3A_62 = vector.broadcast %add3A_61 : i32 to vector<16xi32>
      %add3A_63 = arith.addi %iota3A, %add3A_62 : vector<16xi32>
      %and3A_64 = arith.constant 127 : i32
      %and3A_65 = vector.broadcast %and3A_64 : i32 to vector<16xi32>
      %and3A_66 = arith.andi %get3A_60, %and3A_65 : vector<16xi32>
      tpu.vector_store_idx %arg7[%add3A_63, %and3A_66], %broadcast_in_dim3A_0 : memref<128x128xf32, #tpu.memory_space<vmem>>[vector<16xi32>, vector<16xi32>], vector<16xf32>,
      %get3A_67 = arith.index_cast %add3A_50 : i32 to index
      %get3A_68 = arith.constant 32 : index
      %get3A_69 = tpu.vector_load %arg5[%get3A_67, %get3A_68] {strides = array<i32>} : memref<80x128xi32, #tpu.memory_space<vmem>>, vector<16xi32>,
      %add3A_70 = arith.constant 32 : i32
      %add3A_71 = vector.broadcast %add3A_70 : i32 to vector<16xi32>
      %add3A_72 = arith.addi %iota3A, %add3A_71 : vector<16xi32>
      %and3A_73 = arith.constant 127 : i32
      %and3A_74 = vector.broadcast %and3A_73 : i32 to vector<16xi32>
      %and3A_75 = arith.andi %get3A_69, %and3A_74 : vector<16xi32>
      tpu.vector_store_idx %arg7[%add3A_72, %and3A_75], %broadcast_in_dim3A_0 : memref<128x128xf32, #tpu.memory_space<vmem>>[vector<16xi32>, vector<16xi32>], vector<16xf32>,
      %get3A_76 = arith.index_cast %add3A_50 : i32 to index
      %get3A_77 = arith.constant 48 : index
      %get3A_78 = tpu.vector_load %arg5[%get3A_76, %get3A_77] {strides = array<i32>} : memref<80x128xi32, #tpu.memory_space<vmem>>, vector<16xi32>,
      %add3A_79 = arith.constant 48 : i32
      %add3A_80 = vector.broadcast %add3A_79 : i32 to vector<16xi32>
      %add3A_81 = arith.addi %iota3A, %add3A_80 : vector<16xi32>
      %and3A_82 = arith.constant 127 : i32
      %and3A_83 = vector.broadcast %and3A_82 : i32 to vector<16xi32>
      %and3A_84 = arith.andi %get3A_78, %and3A_83 : vector<16xi32>
      tpu.vector_store_idx %arg7[%add3A_81, %and3A_84], %broadcast_in_dim3A_0 : memref<128x128xf32, #tpu.memory_space<vmem>>[vector<16xi32>, vector<16xi32>], vector<16xf32>,
      %get3A_85 = arith.index_cast %add3A_50 : i32 to index
      %get3A_86 = arith.constant 64 : index
      %get3A_87 = tpu.vector_load %arg5[%get3A_85, %get3A_86] {strides = array<i32>} : memref<80x128xi32, #tpu.memory_space<vmem>>, vector<16xi32>,
      %add3A_88 = arith.constant 64 : i32
      %add3A_89 = vector.broadcast %add3A_88 : i32 to vector<16xi32>
      %add3A_90 = arith.addi %iota3A, %add3A_89 : vector<16xi32>
      %and3A_91 = arith.constant 127 : i32
      %and3A_92 = vector.broadcast %and3A_91 : i32 to vector<16xi32>
      %and3A_93 = arith.andi %get3A_87, %and3A_92 : vector<16xi32>
      tpu.vector_store_idx %arg7[%add3A_90, %and3A_93], %broadcast_in_dim3A_0 : memref<128x128xf32, #tpu.memory_space<vmem>>[vector<16xi32>, vector<16xi32>], vector<16xf32>,
      %get3A_94 = arith.index_cast %add3A_50 : i32 to index
      %get3A_95 = arith.constant 80 : index
      %get3A_96 = tpu.vector_load %arg5[%get3A_94, %get3A_95] {strides = array<i32>} : memref<80x128xi32, #tpu.memory_space<vmem>>, vector<16xi32>,
      %add3A_97 = arith.constant 80 : i32
      %add3A_98 = vector.broadcast %add3A_97 : i32 to vector<16xi32>
      %add3A_99 = arith.addi %iota3A, %add3A_98 : vector<16xi32>
      %and3A_100 = arith.constant 127 : i32
      %and3A_101 = vector.broadcast %and3A_100 : i32 to vector<16xi32>
      %and3A_102 = arith.andi %get3A_96, %and3A_101 : vector<16xi32>
      tpu.vector_store_idx %arg7[%add3A_99, %and3A_102], %broadcast_in_dim3A_0 : memref<128x128xf32, #tpu.memory_space<vmem>>[vector<16xi32>, vector<16xi32>], vector<16xf32>,
      %get3A_103 = arith.index_cast %add3A_50 : i32 to index
      %get3A_104 = arith.constant 96 : index
      %get3A_105 = tpu.vector_load %arg5[%get3A_103, %get3A_104] {strides = array<i32>} : memref<80x128xi32, #tpu.memory_space<vmem>>, vector<16xi32>,
      %add3A_106 = arith.constant 96 : i32
      %add3A_107 = vector.broadcast %add3A_106 : i32 to vector<16xi32>
      %add3A_108 = arith.addi %iota3A, %add3A_107 : vector<16xi32>
      %and3A_109 = arith.constant 127 : i32
      %and3A_110 = vector.broadcast %and3A_109 : i32 to vector<16xi32>
      %and3A_111 = arith.andi %get3A_105, %and3A_110 : vector<16xi32>
      tpu.vector_store_idx %arg7[%add3A_108, %and3A_111], %broadcast_in_dim3A_0 : memref<128x128xf32, #tpu.memory_space<vmem>>[vector<16xi32>, vector<16xi32>], vector<16xf32>,
      %get3A_112 = arith.index_cast %add3A_50 : i32 to index
      %get3A_113 = arith.constant 112 : index
      %get3A_114 = tpu.vector_load %arg5[%get3A_112, %get3A_113] {strides = array<i32>} : memref<80x128xi32, #tpu.memory_space<vmem>>, vector<16xi32>,
      %add3A_115 = arith.constant 112 : i32
      %add3A_116 = vector.broadcast %add3A_115 : i32 to vector<16xi32>
      %add3A_117 = arith.addi %iota3A, %add3A_116 : vector<16xi32>
      %and3A_118 = arith.constant 127 : i32
      %and3A_119 = vector.broadcast %and3A_118 : i32 to vector<16xi32>
      %and3A_120 = arith.andi %get3A_114, %and3A_119 : vector<16xi32>
      tpu.vector_store_idx %arg7[%add3A_117, %and3A_120], %broadcast_in_dim3A_0 : memref<128x128xf32, #tpu.memory_space<vmem>>[vector<16xi32>, vector<16xi32>], vector<16xf32>,
      "tpu.region"() ({
        %run_scoped3A_193 = tpu.sem_alloc : memref<!tpu.dma_semaphore, #tpu.memory_space<semaphore_mem>>
        %dma_start3A = arith.constant 0 : i32
        %dma_start3A_194 = tpu.memref_slice %arg6[%add3A_50, %dma_start3A] : memref<80x128xi32, #tpu.memory_space<vmem>> -> memref<1x128xi32, #tpu.memory_space<vmem>>
        %dma_start3A_195 = tpu.memref_squeeze %dma_start3A_194 : memref<1x128xi32, #tpu.memory_space<vmem>> -> memref<128xi32, #tpu.memory_space<vmem>>
        %dma_start3A_196 = arith.constant 0 : i32
        %dma_start3A_197 = arith.constant 0 : i32
        %dma_start3A_198 = tpu.memref_slice %arg8[%dma_start3A_196, %dma_start3A_197] : memref<80x128xf32, #tpu.memory_space<vmem_shared>> -> memref<80x128xf32, #tpu.memory_space<vmem_shared>>
        tpu.enqueue_indirect_dma source(%arg7 : memref<128x128xf32, #tpu.memory_space<vmem>>) target(%dma_start3A_198 : memref<80x128xf32, #tpu.memory_space<vmem_shared>>) offsets(%dma_start3A_195 : memref<128xi32, #tpu.memory_space<vmem>>) semaphore(%run_scoped3A_193 : memref<!tpu.dma_semaphore, #tpu.memory_space<semaphore_mem>>) {add = true}
        %dma_wait3A = arith.constant 0 : i32
        %dma_wait3A_199 = tpu.memref_slice %arg6[%add3A_50, %dma_wait3A] : memref<80x128xi32, #tpu.memory_space<vmem>> -> memref<1x128xi32, #tpu.memory_space<vmem>>
        %dma_wait3A_200 = tpu.memref_squeeze %dma_wait3A_199 : memref<1x128xi32, #tpu.memory_space<vmem>> -> memref<128xi32, #tpu.memory_space<vmem>>
        %dma_wait3A_201 = arith.constant 0 : i32
        %dma_wait3A_202 = arith.constant 0 : i32
        %dma_wait3A_203 = tpu.memref_slice %arg8[%dma_wait3A_201, %dma_wait3A_202] : memref<80x128xf32, #tpu.memory_space<vmem_shared>> -> memref<80x128xf32, #tpu.memory_space<vmem_shared>>
        tpu.wait_indirect_dma semaphore(%run_scoped3A_193 : memref<!tpu.dma_semaphore, #tpu.memory_space<semaphore_mem>>) src(%arg7 : memref<128x128xf32, #tpu.memory_space<vmem>>) dst(%dma_wait3A_203 : memref<80x128xf32, #tpu.memory_space<vmem_shared>>)
        tpu.yield
      }) : () -> ()
      %get3A_121 = arith.index_cast %add3A_50 : i32 to index
      %get3A_122 = arith.constant 0 : index
      %get3A_123 = tpu.vector_load %arg5[%get3A_121, %get3A_122] {strides = array<i32>} : memref<80x128xi32, #tpu.memory_space<vmem>>, vector<16xi32>,
      %add3A_124 = arith.constant 0 : i32
      %add3A_125 = vector.broadcast %add3A_124 : i32 to vector<16xi32>
      %add3A_126 = arith.addi %iota3A, %add3A_125 : vector<16xi32>
      %and3A_127 = arith.constant 127 : i32
      %and3A_128 = vector.broadcast %and3A_127 : i32 to vector<16xi32>
      %and3A_129 = arith.andi %get3A_123, %and3A_128 : vector<16xi32>
      tpu.vector_store_idx %arg7[%add3A_126, %and3A_129], %broadcast_in_dim3A_2 : memref<128x128xf32, #tpu.memory_space<vmem>>[vector<16xi32>, vector<16xi32>], vector<16xf32>,
      %get3A_130 = arith.index_cast %add3A_50 : i32 to index
      %get3A_131 = arith.constant 16 : index
      %get3A_132 = tpu.vector_load %arg5[%get3A_130, %get3A_131] {strides = array<i32>} : memref<80x128xi32, #tpu.memory_space<vmem>>, vector<16xi32>,
      %add3A_133 = arith.constant 16 : i32
      %add3A_134 = vector.broadcast %add3A_133 : i32 to vector<16xi32>
      %add3A_135 = arith.addi %iota3A, %add3A_134 : vector<16xi32>
      %and3A_136 = arith.constant 127 : i32
      %and3A_137 = vector.broadcast %and3A_136 : i32 to vector<16xi32>
      %and3A_138 = arith.andi %get3A_132, %and3A_137 : vector<16xi32>
      tpu.vector_store_idx %arg7[%add3A_135, %and3A_138], %broadcast_in_dim3A_2 : memref<128x128xf32, #tpu.memory_space<vmem>>[vector<16xi32>, vector<16xi32>], vector<16xf32>,
      %get3A_139 = arith.index_cast %add3A_50 : i32 to index
      %get3A_140 = arith.constant 32 : index
      %get3A_141 = tpu.vector_load %arg5[%get3A_139, %get3A_140] {strides = array<i32>} : memref<80x128xi32, #tpu.memory_space<vmem>>, vector<16xi32>,
      %add3A_142 = arith.constant 32 : i32
      %add3A_143 = vector.broadcast %add3A_142 : i32 to vector<16xi32>
      %add3A_144 = arith.addi %iota3A, %add3A_143 : vector<16xi32>
      %and3A_145 = arith.constant 127 : i32
      %and3A_146 = vector.broadcast %and3A_145 : i32 to vector<16xi32>
      %and3A_147 = arith.andi %get3A_141, %and3A_146 : vector<16xi32>
      tpu.vector_store_idx %arg7[%add3A_144, %and3A_147], %broadcast_in_dim3A_2 : memref<128x128xf32, #tpu.memory_space<vmem>>[vector<16xi32>, vector<16xi32>], vector<16xf32>,
      %get3A_148 = arith.index_cast %add3A_50 : i32 to index
      %get3A_149 = arith.constant 48 : index
      %get3A_150 = tpu.vector_load %arg5[%get3A_148, %get3A_149] {strides = array<i32>} : memref<80x128xi32, #tpu.memory_space<vmem>>, vector<16xi32>,
      %add3A_151 = arith.constant 48 : i32
      %add3A_152 = vector.broadcast %add3A_151 : i32 to vector<16xi32>
      %add3A_153 = arith.addi %iota3A, %add3A_152 : vector<16xi32>
      %and3A_154 = arith.constant 127 : i32
      %and3A_155 = vector.broadcast %and3A_154 : i32 to vector<16xi32>
      %and3A_156 = arith.andi %get3A_150, %and3A_155 : vector<16xi32>
      tpu.vector_store_idx %arg7[%add3A_153, %and3A_156], %broadcast_in_dim3A_2 : memref<128x128xf32, #tpu.memory_space<vmem>>[vector<16xi32>, vector<16xi32>], vector<16xf32>,
      %get3A_157 = arith.index_cast %add3A_50 : i32 to index
      %get3A_158 = arith.constant 64 : index
      %get3A_159 = tpu.vector_load %arg5[%get3A_157, %get3A_158] {strides = array<i32>} : memref<80x128xi32, #tpu.memory_space<vmem>>, vector<16xi32>,
      %add3A_160 = arith.constant 64 : i32
      %add3A_161 = vector.broadcast %add3A_160 : i32 to vector<16xi32>
      %add3A_162 = arith.addi %iota3A, %add3A_161 : vector<16xi32>
      %and3A_163 = arith.constant 127 : i32
      %and3A_164 = vector.broadcast %and3A_163 : i32 to vector<16xi32>
      %and3A_165 = arith.andi %get3A_159, %and3A_164 : vector<16xi32>
      tpu.vector_store_idx %arg7[%add3A_162, %and3A_165], %broadcast_in_dim3A_2 : memref<128x128xf32, #tpu.memory_space<vmem>>[vector<16xi32>, vector<16xi32>], vector<16xf32>,
      %get3A_166 = arith.index_cast %add3A_50 : i32 to index
      %get3A_167 = arith.constant 80 : index
      %get3A_168 = tpu.vector_load %arg5[%get3A_166, %get3A_167] {strides = array<i32>} : memref<80x128xi32, #tpu.memory_space<vmem>>, vector<16xi32>,
      %add3A_169 = arith.constant 80 : i32
      %add3A_170 = vector.broadcast %add3A_169 : i32 to vector<16xi32>
      %add3A_171 = arith.addi %iota3A, %add3A_170 : vector<16xi32>
      %and3A_172 = arith.constant 127 : i32
      %and3A_173 = vector.broadcast %and3A_172 : i32 to vector<16xi32>
      %and3A_174 = arith.andi %get3A_168, %and3A_173 : vector<16xi32>
      tpu.vector_store_idx %arg7[%add3A_171, %and3A_174], %broadcast_in_dim3A_2 : memref<128x128xf32, #tpu.memory_space<vmem>>[vector<16xi32>, vector<16xi32>], vector<16xf32>,
      %get3A_175 = arith.index_cast %add3A_50 : i32 to index
      %get3A_176 = arith.constant 96 : index
      %get3A_177 = tpu.vector_load %arg5[%get3A_175, %get3A_176] {strides = array<i32>} : memref<80x128xi32, #tpu.memory_space<vmem>>, vector<16xi32>,
      %add3A_178 = arith.constant 96 : i32
      %add3A_179 = vector.broadcast %add3A_178 : i32 to vector<16xi32>
      %add3A_180 = arith.addi %iota3A, %add3A_179 : vector<16xi32>
      %and3A_181 = arith.constant 127 : i32
      %and3A_182 = vector.broadcast %and3A_181 : i32 to vector<16xi32>
      %and3A_183 = arith.andi %get3A_177, %and3A_182 : vector<16xi32>
      tpu.vector_store_idx %arg7[%add3A_180, %and3A_183], %broadcast_in_dim3A_2 : memref<128x128xf32, #tpu.memory_space<vmem>>[vector<16xi32>, vector<16xi32>], vector<16xf32>,
      %get3A_184 = arith.index_cast %add3A_50 : i32 to index
      %get3A_185 = arith.constant 112 : index
      %get3A_186 = tpu.vector_load %arg5[%get3A_184, %get3A_185] {strides = array<i32>} : memref<80x128xi32, #tpu.memory_space<vmem>>, vector<16xi32>,
      %add3A_187 = arith.constant 112 : i32
      %add3A_188 = vector.broadcast %add3A_187 : i32 to vector<16xi32>
      %add3A_189 = arith.addi %iota3A, %add3A_188 : vector<16xi32>
      %and3A_190 = arith.constant 127 : i32
      %and3A_191 = vector.broadcast %and3A_190 : i32 to vector<16xi32>
      %and3A_192 = arith.andi %get3A_186, %and3A_191 : vector<16xi32>
      tpu.vector_store_idx %arg7[%add3A_189, %and3A_192], %broadcast_in_dim3A_2 : memref<128x128xf32, #tpu.memory_space<vmem>>[vector<16xi32>, vector<16xi32>], vector<16xf32>,
    }
    %scan3A_14 = arith.constant 80 : i32
    %barrier3A_15 = arith.constant 0 : index
    tpu.barrier barrier_id(%barrier3A_15)
    %lt3A_16 = arith.constant 10 : i32
    %lt3A_17 = arith.cmpi slt, %arg1, %lt3A_16 : i32
    %convert_element_type3A_18 = arith.extui %lt3A_17 : i1 to i32
    %cond3A_19 = arith.constant 0 : i32
    %cond3A_20 = arith.cmpi ne, %convert_element_type3A_18, %cond3A_19 : i32
    scf.if %cond3A_20 {
      %mul3A_47 = arith.constant 8 : i32
      %mul3A_48 = arith.muli %arg1, %mul3A_47 : i32
      %mul3A_49 = arith.constant 8 : i32
      %mul3A_50 = arith.muli %arg1, %mul3A_49 : i32
      %run_scoped3A_51 = arith.constant 0 : i32
      "tpu.region"() ({
        %run_scoped3A_52 = tpu.sem_alloc : memref<!tpu.dma_semaphore, #tpu.memory_space<semaphore_mem>>
        %dma_start3A = arith.constant 0 : i32
        %dma_start3A_53 = tpu.memref_slice %arg4[%arg0, %run_scoped3A_51, %mul3A_50, %dma_start3A] : memref<2x2x80x128xf32, #tpu.memory_space<hbm>> -> memref<1x1x8x128xf32, #tpu.memory_space<hbm>>
        %dma_start3A_54 = tpu.memref_squeeze %dma_start3A_53 : memref<1x1x8x128xf32, #tpu.memory_space<hbm>> -> memref<8x128xf32, #tpu.memory_space<hbm>>
        %dma_start3A_55 = arith.constant 0 : i32
        %dma_start3A_56 = tpu.memref_slice %arg8[%mul3A_48, %dma_start3A_55] : memref<80x128xf32, #tpu.memory_space<vmem_shared>> -> memref<8x128xf32, #tpu.memory_space<vmem_shared>>
        tpu.enqueue_dma source(%dma_start3A_56 : memref<8x128xf32, #tpu.memory_space<vmem_shared>>) target(%dma_start3A_54 : memref<8x128xf32, #tpu.memory_space<hbm>>) target_semaphore(%run_scoped3A_52 : memref<!tpu.dma_semaphore, #tpu.memory_space<semaphore_mem>>)
        %dma_wait3A = arith.constant 0 : i32
        %dma_wait3A_57 = tpu.memref_slice %arg4[%arg0, %run_scoped3A_51, %mul3A_50, %dma_wait3A] : memref<2x2x80x128xf32, #tpu.memory_space<hbm>> -> memref<1x1x8x128xf32, #tpu.memory_space<hbm>>
        %dma_wait3A_58 = tpu.memref_squeeze %dma_wait3A_57 : memref<1x1x8x128xf32, #tpu.memory_space<hbm>> -> memref<8x128xf32, #tpu.memory_space<hbm>>
        %dma_wait3A_59 = arith.constant 0 : i32
        %dma_wait3A_60 = tpu.memref_slice %arg8[%mul3A_48, %dma_wait3A_59] : memref<80x128xf32, #tpu.memory_space<vmem_shared>> -> memref<8x128xf32, #tpu.memory_space<vmem_shared>>
        tpu.wait_dma2 semaphore(%run_scoped3A_52 : memref<!tpu.dma_semaphore, #tpu.memory_space<semaphore_mem>>) src(%dma_wait3A_60 : memref<8x128xf32, #tpu.memory_space<vmem_shared>>) dst(%dma_wait3A_58 : memref<8x128xf32, #tpu.memory_space<hbm>>)
        tpu.yield
      }) : () -> ()
    } else {
    }
    %barrier3A_21 = arith.constant 0 : index
    tpu.barrier barrier_id(%barrier3A_21)
    %lt3A_22 = arith.constant 10 : i32
    %lt3A_23 = arith.cmpi slt, %arg1, %lt3A_22 : i32
    %convert_element_type3A_24 = arith.extui %lt3A_23 : i1 to i32
    %cond3A_25 = arith.constant 0 : i32
    %cond3A_26 = arith.cmpi ne, %convert_element_type3A_24, %cond3A_25 : i32
    scf.if %cond3A_26 {
      %mul3A_47 = arith.constant 8 : i32
      %mul3A_48 = arith.muli %arg1, %mul3A_47 : i32
      "tpu.region"() ({
        %run_scoped3A_49 = tpu.sem_alloc : memref<!tpu.dma_semaphore, #tpu.memory_space<semaphore_mem>>
        %dma_start3A = arith.constant 0 : i32
        %dma_start3A_50 = tpu.memref_slice %arg8[%mul3A_48, %dma_start3A] : memref<80x128xf32, #tpu.memory_space<vmem_shared>> -> memref<8x128xf32, #tpu.memory_space<vmem_shared>>
        %dma_start3A_51 = arith.constant 0 : i32
        %dma_start3A_52 = arith.constant 0 : i32
        %dma_start3A_53 = tpu.memref_slice %arg3[%dma_start3A_51, %dma_start3A_52] : memref<128x128xf32, #tpu.memory_space<hbm>> -> memref<8x128xf32, #tpu.memory_space<hbm>>
        tpu.enqueue_dma source(%dma_start3A_53 : memref<8x128xf32, #tpu.memory_space<hbm>>) target(%dma_start3A_50 : memref<8x128xf32, #tpu.memory_space<vmem_shared>>) target_semaphore(%run_scoped3A_49 : memref<!tpu.dma_semaphore, #tpu.memory_space<semaphore_mem>>)
        %dma_wait3A = arith.constant 0 : i32
        %dma_wait3A_54 = tpu.memref_slice %arg8[%mul3A_48, %dma_wait3A] : memref<80x128xf32, #tpu.memory_space<vmem_shared>> -> memref<8x128xf32, #tpu.memory_space<vmem_shared>>
        %dma_wait3A_55 = arith.constant 0 : i32
        %dma_wait3A_56 = arith.constant 0 : i32
        %dma_wait3A_57 = tpu.memref_slice %arg3[%dma_wait3A_55, %dma_wait3A_56] : memref<128x128xf32, #tpu.memory_space<hbm>> -> memref<8x128xf32, #tpu.memory_space<hbm>>
        tpu.wait_dma2 semaphore(%run_scoped3A_49 : memref<!tpu.dma_semaphore, #tpu.memory_space<semaphore_mem>>) src(%dma_wait3A_57 : memref<8x128xf32, #tpu.memory_space<hbm>>) dst(%dma_wait3A_54 : memref<8x128xf32, #tpu.memory_space<vmem_shared>>)
        tpu.yield
      }) : () -> ()
    } else {
    }
    %mul3A_27 = arith.constant 80 : i32
    %mul3A_28 = arith.muli %arg1, %mul3A_27 : i32
    %run_scoped3A_29 = arith.constant 1 : i32
    "tpu.region"() ({
      %run_scoped3A_47 = tpu.sem_alloc : memref<!tpu.dma_semaphore, #tpu.memory_space<semaphore_mem>>
      %dma_start3A = arith.constant 0 : i32
      %dma_start3A_48 = tpu.memref_slice %arg2[%arg0, %run_scoped3A_29, %mul3A_28, %dma_start3A] : memref<2x2x1280x128xi32, #tpu.memory_space<hbm>> -> memref<1x1x80x128xi32, #tpu.memory_space<hbm>>
      %dma_start3A_49 = tpu.memref_squeeze %dma_start3A_48 : memref<1x1x80x128xi32, #tpu.memory_space<hbm>> -> memref<80x128xi32, #tpu.memory_space<hbm>>
      %dma_start3A_50 = arith.constant 0 : i32
      %dma_start3A_51 = tpu.memref_slice %arg2[%arg0, %run_scoped3A_29, %mul3A_28, %dma_start3A_50] : memref<2x2x1280x128xi32, #tpu.memory_space<hbm>> -> memref<1x1x80x128xi32, #tpu.memory_space<hbm>>
      %dma_start3A_52 = tpu.memref_squeeze %dma_start3A_51 : memref<1x1x80x128xi32, #tpu.memory_space<hbm>> -> memref<80x128xi32, #tpu.memory_space<hbm>>
      tpu.enqueue_dma source(%dma_start3A_52 : memref<80x128xi32, #tpu.memory_space<hbm>>) target(%arg5 : memref<80x128xi32, #tpu.memory_space<vmem>>) target_semaphore(%run_scoped3A_47 : memref<!tpu.dma_semaphore, #tpu.memory_space<semaphore_mem>>)
      %dma_wait3A = arith.constant 0 : i32
      %dma_wait3A_53 = tpu.memref_slice %arg2[%arg0, %run_scoped3A_29, %mul3A_28, %dma_wait3A] : memref<2x2x1280x128xi32, #tpu.memory_space<hbm>> -> memref<1x1x80x128xi32, #tpu.memory_space<hbm>>
      %dma_wait3A_54 = tpu.memref_squeeze %dma_wait3A_53 : memref<1x1x80x128xi32, #tpu.memory_space<hbm>> -> memref<80x128xi32, #tpu.memory_space<hbm>>
      %dma_wait3A_55 = arith.constant 0 : i32
      %dma_wait3A_56 = tpu.memref_slice %arg2[%arg0, %run_scoped3A_29, %mul3A_28, %dma_wait3A_55] : memref<2x2x1280x128xi32, #tpu.memory_space<hbm>> -> memref<1x1x80x128xi32, #tpu.memory_space<hbm>>
      %dma_wait3A_57 = tpu.memref_squeeze %dma_wait3A_56 : memref<1x1x80x128xi32, #tpu.memory_space<hbm>> -> memref<80x128xi32, #tpu.memory_space<hbm>>
      tpu.wait_dma2 semaphore(%run_scoped3A_47 : memref<!tpu.dma_semaphore, #tpu.memory_space<semaphore_mem>>) src(%dma_wait3A_57 : memref<80x128xi32, #tpu.memory_space<hbm>>) dst(%arg5 : memref<80x128xi32, #tpu.memory_space<vmem>>)
      tpu.yield
    }) : () -> ()
    %scan3A_30 = arith.constant 0 : i32
    %scan3A_31 = arith.constant 80 : i32
    %scan3A_32 = arith.addi %scan3A_30, %scan3A_31 : i32
    %scan3A_33 = arith.constant 1 : i32
    scf.for %scan3A_47 = %scan3A_30 to %scan3A_32 step %scan3A_33  : i32 {
      %mul3A_48 = arith.constant 1 : i32
      %mul3A_49 = arith.muli %scan3A_47, %mul3A_48 : i32
      %add3A = arith.constant 0 : i32
      %add3A_50 = arith.addi %add3A, %mul3A_49 : i32
      %get3A = arith.index_cast %add3A_50 : i32 to index
      %get3A_51 = arith.constant 0 : index
      %get3A_52 = tpu.vector_load %arg5[%get3A, %get3A_51] {strides = array<i32>} : memref<80x128xi32, #tpu.memory_space<vmem>>, vector<16xi32>,
      %shift_right_logical3A = arith.constant 7 : i32
      %shift_right_logical3A_53 = vector.broadcast %shift_right_logical3A : i32 to vector<16xi32>
      %shift_right_logical3A_54 = arith.shrui %get3A_52, %shift_right_logical3A_53 : vector<16xi32>
      %swap3A = arith.index_cast %add3A_50 : i32 to index
      %swap3A_55 = arith.constant 0 : index
      %swap3A_56 = tpu.vector_load %arg6[%swap3A, %swap3A_55] {strides = array<i32>} : memref<80x128xi32, #tpu.memory_space<vmem>>, vector<16xi32>,
      tpu.vector_store %arg6[%swap3A, %swap3A_55], %shift_right_logical3A_54 {strides = array<i32>} : memref<80x128xi32, #tpu.memory_space<vmem>>, vector<16xi32>,
      %get3A_57 = arith.index_cast %add3A_50 : i32 to index
      %get3A_58 = arith.constant 16 : index
      %get3A_59 = tpu.vector_load %arg5[%get3A_57, %get3A_58] {strides = array<i32>} : memref<80x128xi32, #tpu.memory_space<vmem>>, vector<16xi32>,
      %shift_right_logical3A_60 = arith.constant 7 : i32
      %shift_right_logical3A_61 = vector.broadcast %shift_right_logical3A_60 : i32 to vector<16xi32>
      %shift_right_logical3A_62 = arith.shrui %get3A_59, %shift_right_logical3A_61 : vector<16xi32>
      %swap3A_63 = arith.index_cast %add3A_50 : i32 to index
      %swap3A_64 = arith.constant 16 : index
      %swap3A_65 = tpu.vector_load %arg6[%swap3A_63, %swap3A_64] {strides = array<i32>} : memref<80x128xi32, #tpu.memory_space<vmem>>, vector<16xi32>,
      tpu.vector_store %arg6[%swap3A_63, %swap3A_64], %shift_right_logical3A_62 {strides = array<i32>} : memref<80x128xi32, #tpu.memory_space<vmem>>, vector<16xi32>,
      %get3A_66 = arith.index_cast %add3A_50 : i32 to index
      %get3A_67 = arith.constant 32 : index
      %get3A_68 = tpu.vector_load %arg5[%get3A_66, %get3A_67] {strides = array<i32>} : memref<80x128xi32, #tpu.memory_space<vmem>>, vector<16xi32>,
      %shift_right_logical3A_69 = arith.constant 7 : i32
      %shift_right_logical3A_70 = vector.broadcast %shift_right_logical3A_69 : i32 to vector<16xi32>
      %shift_right_logical3A_71 = arith.shrui %get3A_68, %shift_right_logical3A_70 : vector<16xi32>
      %swap3A_72 = arith.index_cast %add3A_50 : i32 to index
      %swap3A_73 = arith.constant 32 : index
      %swap3A_74 = tpu.vector_load %arg6[%swap3A_72, %swap3A_73] {strides = array<i32>} : memref<80x128xi32, #tpu.memory_space<vmem>>, vector<16xi32>,
      tpu.vector_store %arg6[%swap3A_72, %swap3A_73], %shift_right_logical3A_71 {strides = array<i32>} : memref<80x128xi32, #tpu.memory_space<vmem>>, vector<16xi32>,
      %get3A_75 = arith.index_cast %add3A_50 : i32 to index
      %get3A_76 = arith.constant 48 : index
      %get3A_77 = tpu.vector_load %arg5[%get3A_75, %get3A_76] {strides = array<i32>} : memref<80x128xi32, #tpu.memory_space<vmem>>, vector<16xi32>,
      %shift_right_logical3A_78 = arith.constant 7 : i32
      %shift_right_logical3A_79 = vector.broadcast %shift_right_logical3A_78 : i32 to vector<16xi32>
      %shift_right_logical3A_80 = arith.shrui %get3A_77, %shift_right_logical3A_79 : vector<16xi32>
      %swap3A_81 = arith.index_cast %add3A_50 : i32 to index
      %swap3A_82 = arith.constant 48 : index
      %swap3A_83 = tpu.vector_load %arg6[%swap3A_81, %swap3A_82] {strides = array<i32>} : memref<80x128xi32, #tpu.memory_space<vmem>>, vector<16xi32>,
      tpu.vector_store %arg6[%swap3A_81, %swap3A_82], %shift_right_logical3A_80 {strides = array<i32>} : memref<80x128xi32, #tpu.memory_space<vmem>>, vector<16xi32>,
      %get3A_84 = arith.index_cast %add3A_50 : i32 to index
      %get3A_85 = arith.constant 64 : index
      %get3A_86 = tpu.vector_load %arg5[%get3A_84, %get3A_85] {strides = array<i32>} : memref<80x128xi32, #tpu.memory_space<vmem>>, vector<16xi32>,
      %shift_right_logical3A_87 = arith.constant 7 : i32
      %shift_right_logical3A_88 = vector.broadcast %shift_right_logical3A_87 : i32 to vector<16xi32>
      %shift_right_logical3A_89 = arith.shrui %get3A_86, %shift_right_logical3A_88 : vector<16xi32>
      %swap3A_90 = arith.index_cast %add3A_50 : i32 to index
      %swap3A_91 = arith.constant 64 : index
      %swap3A_92 = tpu.vector_load %arg6[%swap3A_90, %swap3A_91] {strides = array<i32>} : memref<80x128xi32, #tpu.memory_space<vmem>>, vector<16xi32>,
      tpu.vector_store %arg6[%swap3A_90, %swap3A_91], %shift_right_logical3A_89 {strides = array<i32>} : memref<80x128xi32, #tpu.memory_space<vmem>>, vector<16xi32>,
      %get3A_93 = arith.index_cast %add3A_50 : i32 to index
      %get3A_94 = arith.constant 80 : index
      %get3A_95 = tpu.vector_load %arg5[%get3A_93, %get3A_94] {strides = array<i32>} : memref<80x128xi32, #tpu.memory_space<vmem>>, vector<16xi32>,
      %shift_right_logical3A_96 = arith.constant 7 : i32
      %shift_right_logical3A_97 = vector.broadcast %shift_right_logical3A_96 : i32 to vector<16xi32>
      %shift_right_logical3A_98 = arith.shrui %get3A_95, %shift_right_logical3A_97 : vector<16xi32>
      %swap3A_99 = arith.index_cast %add3A_50 : i32 to index
      %swap3A_100 = arith.constant 80 : index
      %swap3A_101 = tpu.vector_load %arg6[%swap3A_99, %swap3A_100] {strides = array<i32>} : memref<80x128xi32, #tpu.memory_space<vmem>>, vector<16xi32>,
      tpu.vector_store %arg6[%swap3A_99, %swap3A_100], %shift_right_logical3A_98 {strides = array<i32>} : memref<80x128xi32, #tpu.memory_space<vmem>>, vector<16xi32>,
      %get3A_102 = arith.index_cast %add3A_50 : i32 to index
      %get3A_103 = arith.constant 96 : index
      %get3A_104 = tpu.vector_load %arg5[%get3A_102, %get3A_103] {strides = array<i32>} : memref<80x128xi32, #tpu.memory_space<vmem>>, vector<16xi32>,
      %shift_right_logical3A_105 = arith.constant 7 : i32
      %shift_right_logical3A_106 = vector.broadcast %shift_right_logical3A_105 : i32 to vector<16xi32>
      %shift_right_logical3A_107 = arith.shrui %get3A_104, %shift_right_logical3A_106 : vector<16xi32>
      %swap3A_108 = arith.index_cast %add3A_50 : i32 to index
      %swap3A_109 = arith.constant 96 : index
      %swap3A_110 = tpu.vector_load %arg6[%swap3A_108, %swap3A_109] {strides = array<i32>} : memref<80x128xi32, #tpu.memory_space<vmem>>, vector<16xi32>,
      tpu.vector_store %arg6[%swap3A_108, %swap3A_109], %shift_right_logical3A_107 {strides = array<i32>} : memref<80x128xi32, #tpu.memory_space<vmem>>, vector<16xi32>,
      %get3A_111 = arith.index_cast %add3A_50 : i32 to index
      %get3A_112 = arith.constant 112 : index
      %get3A_113 = tpu.vector_load %arg5[%get3A_111, %get3A_112] {strides = array<i32>} : memref<80x128xi32, #tpu.memory_space<vmem>>, vector<16xi32>,
      %shift_right_logical3A_114 = arith.constant 7 : i32
      %shift_right_logical3A_115 = vector.broadcast %shift_right_logical3A_114 : i32 to vector<16xi32>
      %shift_right_logical3A_116 = arith.shrui %get3A_113, %shift_right_logical3A_115 : vector<16xi32>
      %swap3A_117 = arith.index_cast %add3A_50 : i32 to index
      %swap3A_118 = arith.constant 112 : index
      %swap3A_119 = tpu.vector_load %arg6[%swap3A_117, %swap3A_118] {strides = array<i32>} : memref<80x128xi32, #tpu.memory_space<vmem>>, vector<16xi32>,
      tpu.vector_store %arg6[%swap3A_117, %swap3A_118], %shift_right_logical3A_116 {strides = array<i32>} : memref<80x128xi32, #tpu.memory_space<vmem>>, vector<16xi32>,
    }
    %scan3A_34 = arith.constant 80 : i32
    %barrier3A_35 = arith.constant 0 : index
    tpu.barrier barrier_id(%barrier3A_35)
    %scan3A_36 = arith.constant 0 : i32
    %scan3A_37 = arith.constant 80 : i32
    %scan3A_38 = arith.addi %scan3A_36, %scan3A_37 : i32
    %scan3A_39 = arith.constant 1 : i32
    scf.for %scan3A_47 = %scan3A_36 to %scan3A_38 step %scan3A_39  : i32 {
      %mul3A_48 = arith.constant 1 : i32
      %mul3A_49 = arith.muli %scan3A_47, %mul3A_48 : i32
      %add3A = arith.constant 0 : i32
      %add3A_50 = arith.addi %add3A, %mul3A_49 : i32
      %get3A = arith.index_cast %add3A_50 : i32 to index
      %get3A_51 = arith.constant 0 : index
      %get3A_52 = tpu.vector_load %arg5[%get3A, %get3A_51] {strides = array<i32>} : memref<80x128xi32, #tpu.memory_space<vmem>>, vector<16xi32>,
      %add3A_53 = arith.constant 0 : i32
      %add3A_54 = vector.broadcast %add3A_53 : i32 to vector<16xi32>
      %add3A_55 = arith.addi %iota3A, %add3A_54 : vector<16xi32>
      %and3A = arith.constant 127 : i32
      %and3A_56 = vector.broadcast %and3A : i32 to vector<16xi32>
      %and3A_57 = arith.andi %get3A_52, %and3A_56 : vector<16xi32>
      tpu.vector_store_idx %arg7[%add3A_55, %and3A_57], %broadcast_in_dim3A_0 : memref<128x128xf32, #tpu.memory_space<vmem>>[vector<16xi32>, vector<16xi32>], vector<16xf32>,
      %get3A_58 = arith.index_cast %add3A_50 : i32 to index
      %get3A_59 = arith.constant 16 : index
      %get3A_60 = tpu.vector_load %arg5[%get3A_58, %get3A_59] {strides = array<i32>} : memref<80x128xi32, #tpu.memory_space<vmem>>, vector<16xi32>,
      %add3A_61 = arith.constant 16 : i32
      %add3A_62 = vector.broadcast %add3A_61 : i32 to vector<16xi32>
      %add3A_63 = arith.addi %iota3A, %add3A_62 : vector<16xi32>
      %and3A_64 = arith.constant 127 : i32
      %and3A_65 = vector.broadcast %and3A_64 : i32 to vector<16xi32>
      %and3A_66 = arith.andi %get3A_60, %and3A_65 : vector<16xi32>
      tpu.vector_store_idx %arg7[%add3A_63, %and3A_66], %broadcast_in_dim3A_0 : memref<128x128xf32, #tpu.memory_space<vmem>>[vector<16xi32>, vector<16xi32>], vector<16xf32>,
      %get3A_67 = arith.index_cast %add3A_50 : i32 to index
      %get3A_68 = arith.constant 32 : index
      %get3A_69 = tpu.vector_load %arg5[%get3A_67, %get3A_68] {strides = array<i32>} : memref<80x128xi32, #tpu.memory_space<vmem>>, vector<16xi32>,
      %add3A_70 = arith.constant 32 : i32
      %add3A_71 = vector.broadcast %add3A_70 : i32 to vector<16xi32>
      %add3A_72 = arith.addi %iota3A, %add3A_71 : vector<16xi32>
      %and3A_73 = arith.constant 127 : i32
      %and3A_74 = vector.broadcast %and3A_73 : i32 to vector<16xi32>
      %and3A_75 = arith.andi %get3A_69, %and3A_74 : vector<16xi32>
      tpu.vector_store_idx %arg7[%add3A_72, %and3A_75], %broadcast_in_dim3A_0 : memref<128x128xf32, #tpu.memory_space<vmem>>[vector<16xi32>, vector<16xi32>], vector<16xf32>,
      %get3A_76 = arith.index_cast %add3A_50 : i32 to index
      %get3A_77 = arith.constant 48 : index
      %get3A_78 = tpu.vector_load %arg5[%get3A_76, %get3A_77] {strides = array<i32>} : memref<80x128xi32, #tpu.memory_space<vmem>>, vector<16xi32>,
      %add3A_79 = arith.constant 48 : i32
      %add3A_80 = vector.broadcast %add3A_79 : i32 to vector<16xi32>
      %add3A_81 = arith.addi %iota3A, %add3A_80 : vector<16xi32>
      %and3A_82 = arith.constant 127 : i32
      %and3A_83 = vector.broadcast %and3A_82 : i32 to vector<16xi32>
      %and3A_84 = arith.andi %get3A_78, %and3A_83 : vector<16xi32>
      tpu.vector_store_idx %arg7[%add3A_81, %and3A_84], %broadcast_in_dim3A_0 : memref<128x128xf32, #tpu.memory_space<vmem>>[vector<16xi32>, vector<16xi32>], vector<16xf32>,
      %get3A_85 = arith.index_cast %add3A_50 : i32 to index
      %get3A_86 = arith.constant 64 : index
      %get3A_87 = tpu.vector_load %arg5[%get3A_85, %get3A_86] {strides = array<i32>} : memref<80x128xi32, #tpu.memory_space<vmem>>, vector<16xi32>,
      %add3A_88 = arith.constant 64 : i32
      %add3A_89 = vector.broadcast %add3A_88 : i32 to vector<16xi32>
      %add3A_90 = arith.addi %iota3A, %add3A_89 : vector<16xi32>
      %and3A_91 = arith.constant 127 : i32
      %and3A_92 = vector.broadcast %and3A_91 : i32 to vector<16xi32>
      %and3A_93 = arith.andi %get3A_87, %and3A_92 : vector<16xi32>
      tpu.vector_store_idx %arg7[%add3A_90, %and3A_93], %broadcast_in_dim3A_0 : memref<128x128xf32, #tpu.memory_space<vmem>>[vector<16xi32>, vector<16xi32>], vector<16xf32>,
      %get3A_94 = arith.index_cast %add3A_50 : i32 to index
      %get3A_95 = arith.constant 80 : index
      %get3A_96 = tpu.vector_load %arg5[%get3A_94, %get3A_95] {strides = array<i32>} : memref<80x128xi32, #tpu.memory_space<vmem>>, vector<16xi32>,
      %add3A_97 = arith.constant 80 : i32
      %add3A_98 = vector.broadcast %add3A_97 : i32 to vector<16xi32>
      %add3A_99 = arith.addi %iota3A, %add3A_98 : vector<16xi32>
      %and3A_100 = arith.constant 127 : i32
      %and3A_101 = vector.broadcast %and3A_100 : i32 to vector<16xi32>
      %and3A_102 = arith.andi %get3A_96, %and3A_101 : vector<16xi32>
      tpu.vector_store_idx %arg7[%add3A_99, %and3A_102], %broadcast_in_dim3A_0 : memref<128x128xf32, #tpu.memory_space<vmem>>[vector<16xi32>, vector<16xi32>], vector<16xf32>,
      %get3A_103 = arith.index_cast %add3A_50 : i32 to index
      %get3A_104 = arith.constant 96 : index
      %get3A_105 = tpu.vector_load %arg5[%get3A_103, %get3A_104] {strides = array<i32>} : memref<80x128xi32, #tpu.memory_space<vmem>>, vector<16xi32>,
      %add3A_106 = arith.constant 96 : i32
      %add3A_107 = vector.broadcast %add3A_106 : i32 to vector<16xi32>
      %add3A_108 = arith.addi %iota3A, %add3A_107 : vector<16xi32>
      %and3A_109 = arith.constant 127 : i32
      %and3A_110 = vector.broadcast %and3A_109 : i32 to vector<16xi32>
      %and3A_111 = arith.andi %get3A_105, %and3A_110 : vector<16xi32>
      tpu.vector_store_idx %arg7[%add3A_108, %and3A_111], %broadcast_in_dim3A_0 : memref<128x128xf32, #tpu.memory_space<vmem>>[vector<16xi32>, vector<16xi32>], vector<16xf32>,
      %get3A_112 = arith.index_cast %add3A_50 : i32 to index
      %get3A_113 = arith.constant 112 : index
      %get3A_114 = tpu.vector_load %arg5[%get3A_112, %get3A_113] {strides = array<i32>} : memref<80x128xi32, #tpu.memory_space<vmem>>, vector<16xi32>,
      %add3A_115 = arith.constant 112 : i32
      %add3A_116 = vector.broadcast %add3A_115 : i32 to vector<16xi32>
      %add3A_117 = arith.addi %iota3A, %add3A_116 : vector<16xi32>
      %and3A_118 = arith.constant 127 : i32
      %and3A_119 = vector.broadcast %and3A_118 : i32 to vector<16xi32>
      %and3A_120 = arith.andi %get3A_114, %and3A_119 : vector<16xi32>
      tpu.vector_store_idx %arg7[%add3A_117, %and3A_120], %broadcast_in_dim3A_0 : memref<128x128xf32, #tpu.memory_space<vmem>>[vector<16xi32>, vector<16xi32>], vector<16xf32>,
      "tpu.region"() ({
        %run_scoped3A_193 = tpu.sem_alloc : memref<!tpu.dma_semaphore, #tpu.memory_space<semaphore_mem>>
        %dma_start3A = arith.constant 0 : i32
        %dma_start3A_194 = tpu.memref_slice %arg6[%add3A_50, %dma_start3A] : memref<80x128xi32, #tpu.memory_space<vmem>> -> memref<1x128xi32, #tpu.memory_space<vmem>>
        %dma_start3A_195 = tpu.memref_squeeze %dma_start3A_194 : memref<1x128xi32, #tpu.memory_space<vmem>> -> memref<128xi32, #tpu.memory_space<vmem>>
        %dma_start3A_196 = arith.constant 0 : i32
        %dma_start3A_197 = arith.constant 0 : i32
        %dma_start3A_198 = tpu.memref_slice %arg8[%dma_start3A_196, %dma_start3A_197] : memref<80x128xf32, #tpu.memory_space<vmem_shared>> -> memref<80x128xf32, #tpu.memory_space<vmem_shared>>
        tpu.enqueue_indirect_dma source(%arg7 : memref<128x128xf32, #tpu.memory_space<vmem>>) target(%dma_start3A_198 : memref<80x128xf32, #tpu.memory_space<vmem_shared>>) offsets(%dma_start3A_195 : memref<128xi32, #tpu.memory_space<vmem>>) semaphore(%run_scoped3A_193 : memref<!tpu.dma_semaphore, #tpu.memory_space<semaphore_mem>>) {add = true}
        %dma_wait3A = arith.constant 0 : i32
        %dma_wait3A_199 = tpu.memref_slice %arg6[%add3A_50, %dma_wait3A] : memref<80x128xi32, #tpu.memory_space<vmem>> -> memref<1x128xi32, #tpu.memory_space<vmem>>
        %dma_wait3A_200 = tpu.memref_squeeze %dma_wait3A_199 : memref<1x128xi32, #tpu.memory_space<vmem>> -> memref<128xi32, #tpu.memory_space<vmem>>
        %dma_wait3A_201 = arith.constant 0 : i32
        %dma_wait3A_202 = arith.constant 0 : i32
        %dma_wait3A_203 = tpu.memref_slice %arg8[%dma_wait3A_201, %dma_wait3A_202] : memref<80x128xf32, #tpu.memory_space<vmem_shared>> -> memref<80x128xf32, #tpu.memory_space<vmem_shared>>
        tpu.wait_indirect_dma semaphore(%run_scoped3A_193 : memref<!tpu.dma_semaphore, #tpu.memory_space<semaphore_mem>>) src(%arg7 : memref<128x128xf32, #tpu.memory_space<vmem>>) dst(%dma_wait3A_203 : memref<80x128xf32, #tpu.memory_space<vmem_shared>>)
        tpu.yield
      }) : () -> ()
      %get3A_121 = arith.index_cast %add3A_50 : i32 to index
      %get3A_122 = arith.constant 0 : index
      %get3A_123 = tpu.vector_load %arg5[%get3A_121, %get3A_122] {strides = array<i32>} : memref<80x128xi32, #tpu.memory_space<vmem>>, vector<16xi32>,
      %add3A_124 = arith.constant 0 : i32
      %add3A_125 = vector.broadcast %add3A_124 : i32 to vector<16xi32>
      %add3A_126 = arith.addi %iota3A, %add3A_125 : vector<16xi32>
      %and3A_127 = arith.constant 127 : i32
      %and3A_128 = vector.broadcast %and3A_127 : i32 to vector<16xi32>
      %and3A_129 = arith.andi %get3A_123, %and3A_128 : vector<16xi32>
      tpu.vector_store_idx %arg7[%add3A_126, %and3A_129], %broadcast_in_dim3A_2 : memref<128x128xf32, #tpu.memory_space<vmem>>[vector<16xi32>, vector<16xi32>], vector<16xf32>,
      %get3A_130 = arith.index_cast %add3A_50 : i32 to index
      %get3A_131 = arith.constant 16 : index
      %get3A_132 = tpu.vector_load %arg5[%get3A_130, %get3A_131] {strides = array<i32>} : memref<80x128xi32, #tpu.memory_space<vmem>>, vector<16xi32>,
      %add3A_133 = arith.constant 16 : i32
      %add3A_134 = vector.broadcast %add3A_133 : i32 to vector<16xi32>
      %add3A_135 = arith.addi %iota3A, %add3A_134 : vector<16xi32>
      %and3A_136 = arith.constant 127 : i32
      %and3A_137 = vector.broadcast %and3A_136 : i32 to vector<16xi32>
      %and3A_138 = arith.andi %get3A_132, %and3A_137 : vector<16xi32>
      tpu.vector_store_idx %arg7[%add3A_135, %and3A_138], %broadcast_in_dim3A_2 : memref<128x128xf32, #tpu.memory_space<vmem>>[vector<16xi32>, vector<16xi32>], vector<16xf32>,
      %get3A_139 = arith.index_cast %add3A_50 : i32 to index
      %get3A_140 = arith.constant 32 : index
      %get3A_141 = tpu.vector_load %arg5[%get3A_139, %get3A_140] {strides = array<i32>} : memref<80x128xi32, #tpu.memory_space<vmem>>, vector<16xi32>,
      %add3A_142 = arith.constant 32 : i32
      %add3A_143 = vector.broadcast %add3A_142 : i32 to vector<16xi32>
      %add3A_144 = arith.addi %iota3A, %add3A_143 : vector<16xi32>
      %and3A_145 = arith.constant 127 : i32
      %and3A_146 = vector.broadcast %and3A_145 : i32 to vector<16xi32>
      %and3A_147 = arith.andi %get3A_141, %and3A_146 : vector<16xi32>
      tpu.vector_store_idx %arg7[%add3A_144, %and3A_147], %broadcast_in_dim3A_2 : memref<128x128xf32, #tpu.memory_space<vmem>>[vector<16xi32>, vector<16xi32>], vector<16xf32>,
      %get3A_148 = arith.index_cast %add3A_50 : i32 to index
      %get3A_149 = arith.constant 48 : index
      %get3A_150 = tpu.vector_load %arg5[%get3A_148, %get3A_149] {strides = array<i32>} : memref<80x128xi32, #tpu.memory_space<vmem>>, vector<16xi32>,
      %add3A_151 = arith.constant 48 : i32
      %add3A_152 = vector.broadcast %add3A_151 : i32 to vector<16xi32>
      %add3A_153 = arith.addi %iota3A, %add3A_152 : vector<16xi32>
      %and3A_154 = arith.constant 127 : i32
      %and3A_155 = vector.broadcast %and3A_154 : i32 to vector<16xi32>
      %and3A_156 = arith.andi %get3A_150, %and3A_155 : vector<16xi32>
      tpu.vector_store_idx %arg7[%add3A_153, %and3A_156], %broadcast_in_dim3A_2 : memref<128x128xf32, #tpu.memory_space<vmem>>[vector<16xi32>, vector<16xi32>], vector<16xf32>,
      %get3A_157 = arith.index_cast %add3A_50 : i32 to index
      %get3A_158 = arith.constant 64 : index
      %get3A_159 = tpu.vector_load %arg5[%get3A_157, %get3A_158] {strides = array<i32>} : memref<80x128xi32, #tpu.memory_space<vmem>>, vector<16xi32>,
      %add3A_160 = arith.constant 64 : i32
      %add3A_161 = vector.broadcast %add3A_160 : i32 to vector<16xi32>
      %add3A_162 = arith.addi %iota3A, %add3A_161 : vector<16xi32>
      %and3A_163 = arith.constant 127 : i32
      %and3A_164 = vector.broadcast %and3A_163 : i32 to vector<16xi32>
      %and3A_165 = arith.andi %get3A_159, %and3A_164 : vector<16xi32>
      tpu.vector_store_idx %arg7[%add3A_162, %and3A_165], %broadcast_in_dim3A_2 : memref<128x128xf32, #tpu.memory_space<vmem>>[vector<16xi32>, vector<16xi32>], vector<16xf32>,
      %get3A_166 = arith.index_cast %add3A_50 : i32 to index
      %get3A_167 = arith.constant 80 : index
      %get3A_168 = tpu.vector_load %arg5[%get3A_166, %get3A_167] {strides = array<i32>} : memref<80x128xi32, #tpu.memory_space<vmem>>, vector<16xi32>,
      %add3A_169 = arith.constant 80 : i32
      %add3A_170 = vector.broadcast %add3A_169 : i32 to vector<16xi32>
      %add3A_171 = arith.addi %iota3A, %add3A_170 : vector<16xi32>
      %and3A_172 = arith.constant 127 : i32
      %and3A_173 = vector.broadcast %and3A_172 : i32 to vector<16xi32>
      %and3A_174 = arith.andi %get3A_168, %and3A_173 : vector<16xi32>
      tpu.vector_store_idx %arg7[%add3A_171, %and3A_174], %broadcast_in_dim3A_2 : memref<128x128xf32, #tpu.memory_space<vmem>>[vector<16xi32>, vector<16xi32>], vector<16xf32>,
      %get3A_175 = arith.index_cast %add3A_50 : i32 to index
      %get3A_176 = arith.constant 96 : index
      %get3A_177 = tpu.vector_load %arg5[%get3A_175, %get3A_176] {strides = array<i32>} : memref<80x128xi32, #tpu.memory_space<vmem>>, vector<16xi32>,
      %add3A_178 = arith.constant 96 : i32
      %add3A_179 = vector.broadcast %add3A_178 : i32 to vector<16xi32>
      %add3A_180 = arith.addi %iota3A, %add3A_179 : vector<16xi32>
      %and3A_181 = arith.constant 127 : i32
      %and3A_182 = vector.broadcast %and3A_181 : i32 to vector<16xi32>
      %and3A_183 = arith.andi %get3A_177, %and3A_182 : vector<16xi32>
      tpu.vector_store_idx %arg7[%add3A_180, %and3A_183], %broadcast_in_dim3A_2 : memref<128x128xf32, #tpu.memory_space<vmem>>[vector<16xi32>, vector<16xi32>], vector<16xf32>,
      %get3A_184 = arith.index_cast %add3A_50 : i32 to index
      %get3A_185 = arith.constant 112 : index
      %get3A_186 = tpu.vector_load %arg5[%get3A_184, %get3A_185] {strides = array<i32>} : memref<80x128xi32, #tpu.memory_space<vmem>>, vector<16xi32>,
      %add3A_187 = arith.constant 112 : i32
      %add3A_188 = vector.broadcast %add3A_187 : i32 to vector<16xi32>
      %add3A_189 = arith.addi %iota3A, %add3A_188 : vector<16xi32>
      %and3A_190 = arith.constant 127 : i32
      %and3A_191 = vector.broadcast %and3A_190 : i32 to vector<16xi32>
      %and3A_192 = arith.andi %get3A_186, %and3A_191 : vector<16xi32>
      tpu.vector_store_idx %arg7[%add3A_189, %and3A_192], %broadcast_in_dim3A_2 : memref<128x128xf32, #tpu.memory_space<vmem>>[vector<16xi32>, vector<16xi32>], vector<16xf32>,
    }
    %scan3A_40 = arith.constant 80 : i32
    %barrier3A_41 = arith.constant 0 : index
    tpu.barrier barrier_id(%barrier3A_41)
    %lt3A_42 = arith.constant 10 : i32
    %lt3A_43 = arith.cmpi slt, %arg1, %lt3A_42 : i32
    %convert_element_type3A_44 = arith.extui %lt3A_43 : i1 to i32
    %cond3A_45 = arith.constant 0 : i32
    %cond3A_46 = arith.cmpi ne, %convert_element_type3A_44, %cond3A_45 : i32
    scf.if %cond3A_46 {
      %mul3A_47 = arith.constant 8 : i32
      %mul3A_48 = arith.muli %arg1, %mul3A_47 : i32
      %mul3A_49 = arith.constant 8 : i32
      %mul3A_50 = arith.muli %arg1, %mul3A_49 : i32
      %run_scoped3A_51 = arith.constant 1 : i32
      "tpu.region"() ({
        %run_scoped3A_52 = tpu.sem_alloc : memref<!tpu.dma_semaphore, #tpu.memory_space<semaphore_mem>>
        %dma_start3A = arith.constant 0 : i32
        %dma_start3A_53 = tpu.memref_slice %arg4[%arg0, %run_scoped3A_51, %mul3A_50, %dma_start3A] : memref<2x2x80x128xf32, #tpu.memory_space<hbm>> -> memref<1x1x8x128xf32, #tpu.memory_space<hbm>>
        %dma_start3A_54 = tpu.memref_squeeze %dma_start3A_53 : memref<1x1x8x128xf32, #tpu.memory_space<hbm>> -> memref<8x128xf32, #tpu.memory_space<hbm>>
        %dma_start3A_55 = arith.constant 0 : i32
        %dma_start3A_56 = tpu.memref_slice %arg8[%mul3A_48, %dma_start3A_55] : memref<80x128xf32, #tpu.memory_space<vmem_shared>> -> memref<8x128xf32, #tpu.memory_space<vmem_shared>>
        tpu.enqueue_dma source(%dma_start3A_56 : memref<8x128xf32, #tpu.memory_space<vmem_shared>>) target(%dma_start3A_54 : memref<8x128xf32, #tpu.memory_space<hbm>>) target_semaphore(%run_scoped3A_52 : memref<!tpu.dma_semaphore, #tpu.memory_space<semaphore_mem>>)
        %dma_wait3A = arith.constant 0 : i32
        %dma_wait3A_57 = tpu.memref_slice %arg4[%arg0, %run_scoped3A_51, %mul3A_50, %dma_wait3A] : memref<2x2x80x128xf32, #tpu.memory_space<hbm>> -> memref<1x1x8x128xf32, #tpu.memory_space<hbm>>
        %dma_wait3A_58 = tpu.memref_squeeze %dma_wait3A_57 : memref<1x1x8x128xf32, #tpu.memory_space<hbm>> -> memref<8x128xf32, #tpu.memory_space<hbm>>
        %dma_wait3A_59 = arith.constant 0 : i32
        %dma_wait3A_60 = tpu.memref_slice %arg8[%mul3A_48, %dma_wait3A_59] : memref<80x128xf32, #tpu.memory_space<vmem_shared>> -> memref<8x128xf32, #tpu.memory_space<vmem_shared>>
        tpu.wait_dma2 semaphore(%run_scoped3A_52 : memref<!tpu.dma_semaphore, #tpu.memory_space<semaphore_mem>>) src(%dma_wait3A_60 : memref<8x128xf32, #tpu.memory_space<vmem_shared>>) dst(%dma_wait3A_58 : memref<8x128xf32, #tpu.memory_space<hbm>>)
        tpu.yield
      }) : () -> ()
    } else {
    }
    return
  }
}

#map = affine_map<(d0, d1) -> (0, 0)>
module attributes {stable_mosaic.version = 14 : i64} {
  func.func @_agg_body(%arg0: i32, %arg1: i32, %arg2: memref<81920x128xf32, #tpu.memory_space<hbm>>, %arg3: memref<10240x128xi32, #tpu.memory_space<hbm>>, %arg4: memref<5120x128xi32, #tpu.memory_space<hbm>>, %arg5: memref<632x128xf32, #tpu.memory_space<hbm>>, %arg6: memref<80896x128xf32, #tpu.memory_space<hbm>>, %arg7: memref<80x128xi32, #tpu.memory_space<vmem>>, %arg8: memref<80x128xi32, #tpu.memory_space<vmem>>, %arg9: memref<128x128xf32, #tpu.memory_space<vmem>>, %arg10: memref<10112x128xf32, #tpu.memory_space<vmem_shared>>) attributes {dimension_semantics = [#tpu.dimension_semantics<core_parallel>, #tpu.dimension_semantics<subcore_parallel>], iteration_bounds = array<i64: 2, 16>, scalar_prefetch = 0 : i64, scratch_operands = 4 : i64, tpu.core_type = #tpu.core_type<sc_vector_subcore>, window_params = [{transform_indices = #map}, {transform_indices = #map}, {transform_indices = #map}, {transform_indices = #map}, {transform_indices = #map}]} {
    %mul3A = arith.constant 632 : i32
    %mul3A_0 = arith.muli %arg1, %mul3A : i32
    %scan3A = arith.constant 0 : i32
    %scan3A_1 = arith.constant 4 : i32
    %scan3A_2 = arith.addi %scan3A, %scan3A_1 : i32
    %scan3A_3 = arith.constant 1 : i32
    scf.for %scan3A_5 = %scan3A to %scan3A_2 step %scan3A_3  : i32 {
      %mul3A_6 = arith.constant 1 : i32
      %mul3A_7 = arith.muli %scan3A_5, %mul3A_6 : i32
      %add3A = arith.constant 0 : i32
      %add3A_8 = arith.addi %add3A, %mul3A_7 : i32
      "tpu.region"() ({
        %run_scoped3A = tpu.sem_alloc : memref<!tpu.dma_semaphore, #tpu.memory_space<semaphore_mem>>
        %dma_start3A = arith.constant 0 : i32
        %dma_start3A_34 = tpu.memref_slice %arg10[%mul3A_0, %dma_start3A] : memref<10112x128xf32, #tpu.memory_space<vmem_shared>> -> memref<632x128xf32, #tpu.memory_space<vmem_shared>>
        tpu.enqueue_dma source(%arg5 : memref<632x128xf32, #tpu.memory_space<hbm>>) target(%dma_start3A_34 : memref<632x128xf32, #tpu.memory_space<vmem_shared>>) target_semaphore(%run_scoped3A : memref<!tpu.dma_semaphore, #tpu.memory_space<semaphore_mem>>)
        %dma_wait3A = arith.constant 0 : i32
        %dma_wait3A_35 = tpu.memref_slice %arg10[%mul3A_0, %dma_wait3A] : memref<10112x128xf32, #tpu.memory_space<vmem_shared>> -> memref<632x128xf32, #tpu.memory_space<vmem_shared>>
        tpu.wait_dma2 semaphore(%run_scoped3A : memref<!tpu.dma_semaphore, #tpu.memory_space<semaphore_mem>>) src(%arg5 : memref<632x128xf32, #tpu.memory_space<hbm>>) dst(%dma_wait3A_35 : memref<632x128xf32, #tpu.memory_space<vmem_shared>>)
        tpu.yield
      }) : () -> ()
      %mul3A_9 = arith.constant 2 : i32
      %mul3A_10 = arith.muli %add3A_8, %mul3A_9 : i32
      %add3A_11 = arith.addi %mul3A_10, %arg0 : i32
      %mul3A_12 = arith.constant 1280 : i32
      %mul3A_13 = arith.muli %add3A_11, %mul3A_12 : i32
      %mul3A_14 = arith.constant 80 : i32
      %mul3A_15 = arith.muli %arg1, %mul3A_14 : i32
      %add3A_16 = arith.addi %mul3A_13, %mul3A_15 : i32
      "tpu.region"() ({
        %run_scoped3A = tpu.sem_alloc : memref<!tpu.dma_semaphore, #tpu.memory_space<semaphore_mem>>
        %dma_start3A = arith.constant 0 : i32
        %dma_start3A_34 = tpu.memref_slice %arg3[%add3A_16, %dma_start3A] : memref<10240x128xi32, #tpu.memory_space<hbm>> -> memref<80x128xi32, #tpu.memory_space<hbm>>
        %dma_start3A_35 = arith.constant 0 : i32
        %dma_start3A_36 = tpu.memref_slice %arg3[%add3A_16, %dma_start3A_35] : memref<10240x128xi32, #tpu.memory_space<hbm>> -> memref<80x128xi32, #tpu.memory_space<hbm>>
        tpu.enqueue_dma source(%dma_start3A_36 : memref<80x128xi32, #tpu.memory_space<hbm>>) target(%arg7 : memref<80x128xi32, #tpu.memory_space<vmem>>) target_semaphore(%run_scoped3A : memref<!tpu.dma_semaphore, #tpu.memory_space<semaphore_mem>>)
        %dma_wait3A = arith.constant 0 : i32
        %dma_wait3A_37 = tpu.memref_slice %arg3[%add3A_16, %dma_wait3A] : memref<10240x128xi32, #tpu.memory_space<hbm>> -> memref<80x128xi32, #tpu.memory_space<hbm>>
        %dma_wait3A_38 = arith.constant 0 : i32
        %dma_wait3A_39 = tpu.memref_slice %arg3[%add3A_16, %dma_wait3A_38] : memref<10240x128xi32, #tpu.memory_space<hbm>> -> memref<80x128xi32, #tpu.memory_space<hbm>>
        tpu.wait_dma2 semaphore(%run_scoped3A : memref<!tpu.dma_semaphore, #tpu.memory_space<semaphore_mem>>) src(%dma_wait3A_39 : memref<80x128xi32, #tpu.memory_space<hbm>>) dst(%arg7 : memref<80x128xi32, #tpu.memory_space<vmem>>)
        tpu.yield
      }) : () -> ()
      %mul3A_17 = arith.constant 1280 : i32
      %mul3A_18 = arith.muli %add3A_8, %mul3A_17 : i32
      %mul3A_19 = arith.constant 80 : i32
      %mul3A_20 = arith.muli %arg1, %mul3A_19 : i32
      %add3A_21 = arith.addi %mul3A_18, %mul3A_20 : i32
      "tpu.region"() ({
        %run_scoped3A = tpu.sem_alloc : memref<!tpu.dma_semaphore, #tpu.memory_space<semaphore_mem>>
        %dma_start3A = arith.constant 0 : i32
        %dma_start3A_34 = tpu.memref_slice %arg4[%add3A_21, %dma_start3A] : memref<5120x128xi32, #tpu.memory_space<hbm>> -> memref<80x128xi32, #tpu.memory_space<hbm>>
        %dma_start3A_35 = arith.constant 0 : i32
        %dma_start3A_36 = tpu.memref_slice %arg4[%add3A_21, %dma_start3A_35] : memref<5120x128xi32, #tpu.memory_space<hbm>> -> memref<80x128xi32, #tpu.memory_space<hbm>>
        tpu.enqueue_dma source(%dma_start3A_36 : memref<80x128xi32, #tpu.memory_space<hbm>>) target(%arg8 : memref<80x128xi32, #tpu.memory_space<vmem>>) target_semaphore(%run_scoped3A : memref<!tpu.dma_semaphore, #tpu.memory_space<semaphore_mem>>)
        %dma_wait3A = arith.constant 0 : i32
        %dma_wait3A_37 = tpu.memref_slice %arg4[%add3A_21, %dma_wait3A] : memref<5120x128xi32, #tpu.memory_space<hbm>> -> memref<80x128xi32, #tpu.memory_space<hbm>>
        %dma_wait3A_38 = arith.constant 0 : i32
        %dma_wait3A_39 = tpu.memref_slice %arg4[%add3A_21, %dma_wait3A_38] : memref<5120x128xi32, #tpu.memory_space<hbm>> -> memref<80x128xi32, #tpu.memory_space<hbm>>
        tpu.wait_dma2 semaphore(%run_scoped3A : memref<!tpu.dma_semaphore, #tpu.memory_space<semaphore_mem>>) src(%dma_wait3A_39 : memref<80x128xi32, #tpu.memory_space<hbm>>) dst(%arg8 : memref<80x128xi32, #tpu.memory_space<vmem>>)
        tpu.yield
      }) : () -> ()
      %barrier3A = arith.constant 0 : index
      tpu.barrier barrier_id(%barrier3A)
      %scan3A_22 = arith.constant 0 : i32
      %scan3A_23 = arith.constant 80 : i32
      %scan3A_24 = arith.addi %scan3A_22, %scan3A_23 : i32
      %scan3A_25 = arith.constant 1 : i32
      scf.for %scan3A_34 = %scan3A_22 to %scan3A_24 step %scan3A_25  : i32 {
        %mul3A_35 = arith.constant 1 : i32
        %mul3A_36 = arith.muli %scan3A_34, %mul3A_35 : i32
        %add3A_37 = arith.constant 0 : i32
        %add3A_38 = arith.addi %add3A_37, %mul3A_36 : i32
        "tpu.region"() ({
          %run_scoped3A = tpu.sem_alloc : memref<!tpu.dma_semaphore, #tpu.memory_space<semaphore_mem>>
          %dma_start3A = arith.constant 0 : i32
          %dma_start3A_39 = tpu.memref_slice %arg7[%add3A_38, %dma_start3A] : memref<80x128xi32, #tpu.memory_space<vmem>> -> memref<1x128xi32, #tpu.memory_space<vmem>>
          %dma_start3A_40 = tpu.memref_squeeze %dma_start3A_39 : memref<1x128xi32, #tpu.memory_space<vmem>> -> memref<128xi32, #tpu.memory_space<vmem>>
          %dma_start3A_41 = arith.constant 0 : i32
          %dma_start3A_42 = arith.constant 0 : i32
          %dma_start3A_43 = tpu.memref_slice %arg2[%dma_start3A_41, %dma_start3A_42] : memref<81920x128xf32, #tpu.memory_space<hbm>> -> memref<81920x128xf32, #tpu.memory_space<hbm>>
          tpu.enqueue_indirect_dma source(%dma_start3A_43 : memref<81920x128xf32, #tpu.memory_space<hbm>>) target(%arg9 : memref<128x128xf32, #tpu.memory_space<vmem>>) offsets(%dma_start3A_40 : memref<128xi32, #tpu.memory_space<vmem>>) semaphore(%run_scoped3A : memref<!tpu.dma_semaphore, #tpu.memory_space<semaphore_mem>>)
          %dma_wait3A = arith.constant 0 : i32
          %dma_wait3A_44 = tpu.memref_slice %arg7[%add3A_38, %dma_wait3A] : memref<80x128xi32, #tpu.memory_space<vmem>> -> memref<1x128xi32, #tpu.memory_space<vmem>>
          %dma_wait3A_45 = tpu.memref_squeeze %dma_wait3A_44 : memref<1x128xi32, #tpu.memory_space<vmem>> -> memref<128xi32, #tpu.memory_space<vmem>>
          %dma_wait3A_46 = arith.constant 0 : i32
          %dma_wait3A_47 = arith.constant 0 : i32
          %dma_wait3A_48 = tpu.memref_slice %arg2[%dma_wait3A_46, %dma_wait3A_47] : memref<81920x128xf32, #tpu.memory_space<hbm>> -> memref<81920x128xf32, #tpu.memory_space<hbm>>
          tpu.wait_indirect_dma semaphore(%run_scoped3A : memref<!tpu.dma_semaphore, #tpu.memory_space<semaphore_mem>>) src(%dma_wait3A_48 : memref<81920x128xf32, #tpu.memory_space<hbm>>) dst(%arg9 : memref<128x128xf32, #tpu.memory_space<vmem>>)
          tpu.yield
        }) : () -> ()
        "tpu.region"() ({
          %run_scoped3A = tpu.sem_alloc : memref<!tpu.dma_semaphore, #tpu.memory_space<semaphore_mem>>
          %dma_start3A = arith.constant 0 : i32
          %dma_start3A_39 = tpu.memref_slice %arg8[%add3A_38, %dma_start3A] : memref<80x128xi32, #tpu.memory_space<vmem>> -> memref<1x128xi32, #tpu.memory_space<vmem>>
          %dma_start3A_40 = tpu.memref_squeeze %dma_start3A_39 : memref<1x128xi32, #tpu.memory_space<vmem>> -> memref<128xi32, #tpu.memory_space<vmem>>
          %dma_start3A_41 = arith.constant 0 : i32
          %dma_start3A_42 = arith.constant 0 : i32
          %dma_start3A_43 = tpu.memref_slice %arg10[%dma_start3A_41, %dma_start3A_42] : memref<10112x128xf32, #tpu.memory_space<vmem_shared>> -> memref<10112x128xf32, #tpu.memory_space<vmem_shared>>
          tpu.enqueue_indirect_dma source(%arg9 : memref<128x128xf32, #tpu.memory_space<vmem>>) target(%dma_start3A_43 : memref<10112x128xf32, #tpu.memory_space<vmem_shared>>) offsets(%dma_start3A_40 : memref<128xi32, #tpu.memory_space<vmem>>) semaphore(%run_scoped3A : memref<!tpu.dma_semaphore, #tpu.memory_space<semaphore_mem>>) {add = true}
          %dma_wait3A = arith.constant 0 : i32
          %dma_wait3A_44 = tpu.memref_slice %arg8[%add3A_38, %dma_wait3A] : memref<80x128xi32, #tpu.memory_space<vmem>> -> memref<1x128xi32, #tpu.memory_space<vmem>>
          %dma_wait3A_45 = tpu.memref_squeeze %dma_wait3A_44 : memref<1x128xi32, #tpu.memory_space<vmem>> -> memref<128xi32, #tpu.memory_space<vmem>>
          %dma_wait3A_46 = arith.constant 0 : i32
          %dma_wait3A_47 = arith.constant 0 : i32
          %dma_wait3A_48 = tpu.memref_slice %arg10[%dma_wait3A_46, %dma_wait3A_47] : memref<10112x128xf32, #tpu.memory_space<vmem_shared>> -> memref<10112x128xf32, #tpu.memory_space<vmem_shared>>
          tpu.wait_indirect_dma semaphore(%run_scoped3A : memref<!tpu.dma_semaphore, #tpu.memory_space<semaphore_mem>>) src(%arg9 : memref<128x128xf32, #tpu.memory_space<vmem>>) dst(%dma_wait3A_48 : memref<10112x128xf32, #tpu.memory_space<vmem_shared>>)
          tpu.yield
        }) : () -> ()
      }
      %scan3A_26 = arith.constant 80 : i32
      %barrier3A_27 = arith.constant 0 : index
      tpu.barrier barrier_id(%barrier3A_27)
      %mul3A_28 = arith.constant 2 : i32
      %mul3A_29 = arith.muli %add3A_8, %mul3A_28 : i32
      %add3A_30 = arith.addi %mul3A_29, %arg0 : i32
      %mul3A_31 = arith.constant 10112 : i32
      %mul3A_32 = arith.muli %add3A_30, %mul3A_31 : i32
      %add3A_33 = arith.addi %mul3A_32, %mul3A_0 : i32
      "tpu.region"() ({
        %run_scoped3A = tpu.sem_alloc : memref<!tpu.dma_semaphore, #tpu.memory_space<semaphore_mem>>
        %dma_start3A = arith.constant 0 : i32
        %dma_start3A_34 = tpu.memref_slice %arg6[%add3A_33, %dma_start3A] : memref<80896x128xf32, #tpu.memory_space<hbm>> -> memref<632x128xf32, #tpu.memory_space<hbm>>
        %dma_start3A_35 = arith.constant 0 : i32
        %dma_start3A_36 = tpu.memref_slice %arg10[%mul3A_0, %dma_start3A_35] : memref<10112x128xf32, #tpu.memory_space<vmem_shared>> -> memref<632x128xf32, #tpu.memory_space<vmem_shared>>
        tpu.enqueue_dma source(%dma_start3A_36 : memref<632x128xf32, #tpu.memory_space<vmem_shared>>) target(%dma_start3A_34 : memref<632x128xf32, #tpu.memory_space<hbm>>) target_semaphore(%run_scoped3A : memref<!tpu.dma_semaphore, #tpu.memory_space<semaphore_mem>>)
        %dma_wait3A = arith.constant 0 : i32
        %dma_wait3A_37 = tpu.memref_slice %arg6[%add3A_33, %dma_wait3A] : memref<80896x128xf32, #tpu.memory_space<hbm>> -> memref<632x128xf32, #tpu.memory_space<hbm>>
        %dma_wait3A_38 = arith.constant 0 : i32
        %dma_wait3A_39 = tpu.memref_slice %arg10[%mul3A_0, %dma_wait3A_38] : memref<10112x128xf32, #tpu.memory_space<vmem_shared>> -> memref<632x128xf32, #tpu.memory_space<vmem_shared>>
        tpu.wait_dma2 semaphore(%run_scoped3A : memref<!tpu.dma_semaphore, #tpu.memory_space<semaphore_mem>>) src(%dma_wait3A_39 : memref<632x128xf32, #tpu.memory_space<vmem_shared>>) dst(%dma_wait3A_37 : memref<632x128xf32, #tpu.memory_space<hbm>>)
        tpu.yield
      }) : () -> ()
    }
    %scan3A_4 = arith.constant 4 : i32
    return
  }
}

module attributes {stable_mosaic.version = 14 : i64} {
  func.func @_scale_body(%arg0: i32, %arg1: i32, %arg2: memref<1x256x256xf32, #tpu.memory_space<vmem>>, %arg3: memref<1x1x256x16xf32, #tpu.memory_space<vmem>>, %arg4: memref<1x2x256x128xf32, #tpu.memory_space<vmem>>) attributes {dimension_semantics = [#tpu.dimension_semantics<arbitrary>, #tpu.dimension_semantics<arbitrary>], iteration_bounds = array<i64: 4, 40>, scalar_prefetch = 0 : i64, scratch_operands = 0 : i64, tpu.core_type = #tpu.core_type<tc>, window_params = [{transform_indices = @transform_0, window_bounds = array<i64: 1, 256, 256>}, {transform_indices = @transform_1, window_bounds = array<i64: 1, 1, 256, 16>}, {transform_indices = @transform_2, window_bounds = array<i64: 1, 2, 256, 128>}]} {
    %get3A = arith.constant 0 : index
    %get3A_0 = arith.constant 0 : index
    %get3A_1 = arith.constant 0 : index
    %get3A_2 = arith.constant 0 : index
    %get3A_3 = vector.load %arg3[%get3A, %get3A_0, %get3A_1, %get3A_2] : memref<1x1x256x16xf32, #tpu.memory_space<vmem>>, vector<1x1x256x1xf32>
    %get3A_4 = vector.shape_cast %get3A_3 : vector<1x1x256x1xf32> to vector<256x1xf32>
    %max3A = arith.constant 1.000000e+00 : f32
    %max3A_5 = vector.broadcast %max3A : f32 to vector<256x1xf32>
    %max3A_6 = arith.maximumf %get3A_4, %max3A_5 : vector<256x1xf32>
    %rsqrt3A = math.rsqrt %max3A_6 : vector<256x1xf32>
    %get3A_7 = arith.constant 0 : index
    %get3A_8 = arith.constant 0 : index
    %get3A_9 = arith.constant 0 : index
    %get3A_10 = vector.load %arg2[%get3A_7, %get3A_8, %get3A_9] : memref<1x256x256xf32, #tpu.memory_space<vmem>>, vector<1x256x256xf32>
    %get3A_11 = vector.shape_cast %get3A_10 : vector<1x256x256xf32> to vector<256x256xf32>
    %mul3A = vector.broadcast %rsqrt3A : vector<256x1xf32> to vector<256x256xf32>
    %mul3A_12 = arith.mulf %get3A_11, %mul3A : vector<256x256xf32>
    %slice3A = vector.extract_strided_slice %mul3A_12 {offsets = [0, 0], sizes = [256, 128], strides = [1, 1]} : vector<256x256xf32> to vector<256x128xf32>
    %swap3A = arith.constant 0 : index
    %swap3A_13 = arith.constant 0 : index
    %swap3A_14 = arith.constant 0 : index
    %swap3A_15 = arith.constant 0 : index
    %swap3A_16 = vector.load %arg4[%swap3A, %swap3A_13, %swap3A_14, %swap3A_15] : memref<1x2x256x128xf32, #tpu.memory_space<vmem>>, vector<1x1x256x128xf32>
    %swap3A_17 = vector.shape_cast %swap3A_16 : vector<1x1x256x128xf32> to vector<256x128xf32>
    %swap3A_18 = vector.shape_cast %slice3A : vector<256x128xf32> to vector<1x1x256x128xf32>
    tpu.vector_store %arg4[%swap3A, %swap3A_13, %swap3A_14, %swap3A_15], %swap3A_18 {strides = array<i32>} : memref<1x2x256x128xf32, #tpu.memory_space<vmem>>, vector<1x1x256x128xf32>,
    %slice3A_19 = vector.extract_strided_slice %mul3A_12 {offsets = [0, 128], sizes = [256, 128], strides = [1, 1]} : vector<256x256xf32> to vector<256x128xf32>
    %swap3A_20 = arith.constant 0 : index
    %swap3A_21 = arith.constant 1 : index
    %swap3A_22 = arith.constant 0 : index
    %swap3A_23 = arith.constant 0 : index
    %swap3A_24 = vector.load %arg4[%swap3A_20, %swap3A_21, %swap3A_22, %swap3A_23] : memref<1x2x256x128xf32, #tpu.memory_space<vmem>>, vector<1x1x256x128xf32>
    %swap3A_25 = vector.shape_cast %swap3A_24 : vector<1x1x256x128xf32> to vector<256x128xf32>
    %swap3A_26 = vector.shape_cast %slice3A_19 : vector<256x128xf32> to vector<1x1x256x128xf32>
    tpu.vector_store %arg4[%swap3A_20, %swap3A_21, %swap3A_22, %swap3A_23], %swap3A_26 {strides = array<i32>} : memref<1x2x256x128xf32, #tpu.memory_space<vmem>>, vector<1x1x256x128xf32>,
    return
  }
  func.func @transform_0(%arg0: i32, %arg1: i32) -> (i32, i32, i32) {
    %jit3A = arith.constant 2 : i32
    %eq3A = arith.constant 0 : i32
    %eq3A_0 = arith.cmpi eq, %jit3A, %eq3A : i32
    %jit3A_1 = arith.constant 1 : i32
    %select_n3A = arith.select %eq3A_0, %jit3A_1, %jit3A : i32
    %rem3A = arith.remsi %arg0, %select_n3A : i32
    %ne3A = arith.constant 0 : i32
    %ne3A_2 = arith.cmpi ne, %rem3A, %ne3A : i32
    %lt3A = arith.constant 0 : i32
    %lt3A_3 = arith.cmpi slt, %rem3A, %lt3A : i32
    %lt3A_4 = arith.constant 0 : i32
    %lt3A_5 = arith.cmpi slt, %select_n3A, %lt3A_4 : i32
    %ne3A_6 = arith.xori %lt3A_3, %lt3A_5 : i1
    %and3A = arith.andi %ne3A_6, %ne3A_2 : i1
    %add3A = arith.addi %rem3A, %select_n3A : i32
    %select_n3A_7 = arith.select %and3A, %add3A, %rem3A : i32
    %c0_i32 = arith.constant 0 : i32
    %c0_i32_8 = arith.constant 0 : i32
    return %select_n3A_7, %arg1, %c0_i32 : i32, i32, i32
  }
  func.func @transform_1(%arg0: i32, %arg1: i32) -> (i32, i32, i32, i32) {
    %jit3A = arith.constant 2 : i32
    %div3A = arith.divsi %arg0, %jit3A : i32
    %sign3A = arith.constant 0 : i32
    %sign3A_0 = arith.cmpi sgt, %arg0, %sign3A : i32
    %sign3A_1 = arith.extui %sign3A_0 : i1 to i32
    %sign3A_2 = arith.constant 0 : i32
    %sign3A_3 = arith.cmpi slt, %arg0, %sign3A_2 : i32
    %sign3A_4 = arith.extui %sign3A_3 : i1 to i32
    %sign3A_5 = arith.subi %sign3A_1, %sign3A_4 : i32
    %sign3A_6 = arith.constant 0 : i32
    %sign3A_7 = arith.cmpi sgt, %jit3A, %sign3A_6 : i32
    %sign3A_8 = arith.extui %sign3A_7 : i1 to i32
    %sign3A_9 = arith.constant 0 : i32
    %sign3A_10 = arith.cmpi slt, %jit3A, %sign3A_9 : i32
    %sign3A_11 = arith.extui %sign3A_10 : i1 to i32
    %sign3A_12 = arith.subi %sign3A_8, %sign3A_11 : i32
    %ne3A = arith.cmpi ne, %sign3A_5, %sign3A_12 : i32
    %rem3A = arith.remsi %arg0, %jit3A : i32
    %ne3A_13 = arith.constant 0 : i32
    %ne3A_14 = arith.cmpi ne, %rem3A, %ne3A_13 : i32
    %and3A = arith.andi %ne3A, %ne3A_14 : i1
    %sub3A = arith.constant 1 : i32
    %sub3A_15 = arith.subi %div3A, %sub3A : i32
    %select_n3A = arith.select %and3A, %sub3A_15, %div3A : i32
    %jit3A_16 = arith.constant 2 : i32
    %eq3A = arith.constant 0 : i32
    %eq3A_17 = arith.cmpi eq, %jit3A_16, %eq3A : i32
    %jit3A_18 = arith.constant 1 : i32
    %select_n3A_19 = arith.select %eq3A_17, %jit3A_18, %jit3A_16 : i32
    %rem3A_20 = arith.remsi %arg0, %select_n3A_19 : i32
    %ne3A_21 = arith.constant 0 : i32
    %ne3A_22 = arith.cmpi ne, %rem3A_20, %ne3A_21 : i32
    %lt3A = arith.constant 0 : i32
    %lt3A_23 = arith.cmpi slt, %rem3A_20, %lt3A : i32
    %lt3A_24 = arith.constant 0 : i32
    %lt3A_25 = arith.cmpi slt, %select_n3A_19, %lt3A_24 : i32
    %ne3A_26 = arith.xori %lt3A_23, %lt3A_25 : i1
    %and3A_27 = arith.andi %ne3A_26, %ne3A_22 : i1
    %add3A = arith.addi %rem3A_20, %select_n3A_19 : i32
    %select_n3A_28 = arith.select %and3A_27, %add3A, %rem3A_20 : i32
    %c0_i32 = arith.constant 0 : i32
    %c0_i32_29 = arith.constant 0 : i32
    return %select_n3A, %select_n3A_28, %arg1, %c0_i32 : i32, i32, i32, i32
  }
  func.func @transform_2(%arg0: i32, %arg1: i32) -> (i32, i32, i32, i32) {
    %c0_i32 = arith.constant 0 : i32
    %c0_i32_0 = arith.constant 0 : i32
    %c0_i32_1 = arith.constant 0 : i32
    return %arg0, %c0_i32, %arg1, %c0_i32_0 : i32, i32, i32, i32
  }
}

module attributes {stable_mosaic.version = 14 : i64} {
  func.func @_mm_body(%arg0: i32, %arg1: i32, %arg2: memref<1x2x1264x128xf32, #tpu.memory_space<vmem>>, %arg3: memref<1x256x256xf32, #tpu.memory_space<vmem>>, %arg4: memref<1x1x256xf32, #tpu.memory_space<vmem>>, %arg5: memref<1x1x1264x16xf32, #tpu.memory_space<vmem>>, %arg6: memref<1x1264x256xf32, #tpu.memory_space<vmem>>) attributes {dimension_semantics = [#tpu.dimension_semantics<arbitrary>, #tpu.dimension_semantics<arbitrary>], iteration_bounds = array<i64: 4, 8>, scalar_prefetch = 0 : i64, scratch_operands = 0 : i64, tpu.core_type = #tpu.core_type<tc>, window_params = [{transform_indices = @transform_0, window_bounds = array<i64: 1, 2, 1264, 128>}, {transform_indices = @transform_1, window_bounds = array<i64: 1, 256, 256>}, {transform_indices = @transform_2, window_bounds = array<i64: 1, 1, 256>}, {transform_indices = @transform_3, window_bounds = array<i64: 1, 1, 1264, 16>}, {transform_indices = @transform_4, window_bounds = array<i64: 1, 1264, 256>}]} {
    %get3A = arith.constant 0 : index
    %get3A_0 = arith.constant 0 : index
    %get3A_1 = arith.constant 0 : index
    %get3A_2 = arith.constant 0 : index
    %get3A_3 = vector.load %arg2[%get3A, %get3A_0, %get3A_1, %get3A_2] : memref<1x2x1264x128xf32, #tpu.memory_space<vmem>>, vector<1x1x1264x128xf32>
    %get3A_4 = vector.shape_cast %get3A_3 : vector<1x1x1264x128xf32> to vector<1264x128xf32>
    %get3A_5 = arith.constant 0 : index
    %get3A_6 = arith.constant 1 : index
    %get3A_7 = arith.constant 0 : index
    %get3A_8 = arith.constant 0 : index
    %get3A_9 = vector.load %arg2[%get3A_5, %get3A_6, %get3A_7, %get3A_8] : memref<1x2x1264x128xf32, #tpu.memory_space<vmem>>, vector<1x1x1264x128xf32>
    %get3A_10 = vector.shape_cast %get3A_9 : vector<1x1x1264x128xf32> to vector<1264x128xf32>
    %concatenate3A = tpu.concatenate %get3A_4, %get3A_10 in 1 : vector<1264x128xf32>, vector<1264x128xf32> -> vector<1264x256xf32>
    %get3A_11 = arith.constant 0 : index
    %get3A_12 = arith.constant 0 : index
    %get3A_13 = arith.constant 0 : index
    %get3A_14 = vector.load %arg3[%get3A_11, %get3A_12, %get3A_13] : memref<1x256x256xf32, #tpu.memory_space<vmem>>, vector<1x256x256xf32>
    %get3A_15 = vector.shape_cast %get3A_14 : vector<1x256x256xf32> to vector<256x256xf32>
    %dot_general3A = arith.constant dense<0.000000e+00> : vector<1264x256xf32>
    %dot_general3A_16 = tpu.matmul %concatenate3A, %get3A_15, %dot_general3A {dimension_numbers = #tpu.dot_dimension_numbers<[1], [0], [0], [1], [0, 0, 1, 1], [], []>, transpose_lhs_hint = false} : vector<1264x256xf32>, vector<256x256xf32>, vector<1264x256xf32> -> vector<1264x256xf32>
    %get3A_17 = arith.constant 0 : index
    %get3A_18 = arith.constant 0 : index
    %get3A_19 = arith.constant 0 : index
    %get3A_20 = arith.constant 0 : index
    %get3A_21 = vector.load %arg5[%get3A_17, %get3A_18, %get3A_19, %get3A_20] : memref<1x1x1264x16xf32, #tpu.memory_space<vmem>>, vector<1x1x1264x1xf32>
    %get3A_22 = vector.shape_cast %get3A_21 : vector<1x1x1264x1xf32> to vector<1264x1xf32>
    %max3A = arith.constant 1.000000e+00 : f32
    %max3A_23 = vector.broadcast %max3A : f32 to vector<1264x1xf32>
    %max3A_24 = arith.maximumf %get3A_22, %max3A_23 : vector<1264x1xf32>
    %rsqrt3A = math.rsqrt %max3A_24 : vector<1264x1xf32>
    %mul3A = vector.broadcast %rsqrt3A : vector<1264x1xf32> to vector<1264x256xf32>
    %mul3A_25 = arith.mulf %dot_general3A_16, %mul3A : vector<1264x256xf32>
    %get3A_26 = arith.constant 0 : index
    %get3A_27 = arith.constant 0 : index
    %get3A_28 = arith.constant 0 : index
    %get3A_29 = vector.load %arg4[%get3A_26, %get3A_27, %get3A_28] : memref<1x1x256xf32, #tpu.memory_space<vmem>>, vector<1x1x256xf32>
    %get3A_30 = vector.shape_cast %get3A_29 : vector<1x1x256xf32> to vector<1x256xf32>
    %add3A = vector.broadcast %get3A_30 : vector<1x256xf32> to vector<1264x256xf32>
    %add3A_31 = arith.addf %mul3A_25, %add3A : vector<1264x256xf32>
    %swap3A = arith.constant 0 : index
    %swap3A_32 = arith.constant 0 : index
    %swap3A_33 = arith.constant 0 : index
    %swap3A_34 = vector.load %arg6[%swap3A, %swap3A_32, %swap3A_33] : memref<1x1264x256xf32, #tpu.memory_space<vmem>>, vector<1x1264x256xf32>
    %swap3A_35 = vector.shape_cast %swap3A_34 : vector<1x1264x256xf32> to vector<1264x256xf32>
    %swap3A_36 = vector.shape_cast %add3A_31 : vector<1264x256xf32> to vector<1x1264x256xf32>
    tpu.vector_store %arg6[%swap3A, %swap3A_32, %swap3A_33], %swap3A_36 {strides = array<i32>} : memref<1x1264x256xf32, #tpu.memory_space<vmem>>, vector<1x1264x256xf32>,
    return
  }
  func.func @transform_0(%arg0: i32, %arg1: i32) -> (i32, i32, i32, i32) {
    %c0_i32 = arith.constant 0 : i32
    %c0_i32_0 = arith.constant 0 : i32
    %c0_i32_1 = arith.constant 0 : i32
    return %arg0, %c0_i32, %arg1, %c0_i32_0 : i32, i32, i32, i32
  }
  func.func @transform_1(%arg0: i32, %arg1: i32) -> (i32, i32, i32) {
    %c0_i32 = arith.constant 0 : i32
    %c0_i32_0 = arith.constant 0 : i32
    %c0_i32_1 = arith.constant 0 : i32
    return %arg0, %c0_i32, %c0_i32_0 : i32, i32, i32
  }
  func.func @transform_2(%arg0: i32, %arg1: i32) -> (i32, i32, i32) {
    %c0_i32 = arith.constant 0 : i32
    %c0_i32_0 = arith.constant 0 : i32
    %c0_i32_1 = arith.constant 0 : i32
    return %arg0, %c0_i32, %c0_i32_0 : i32, i32, i32
  }
  func.func @transform_3(%arg0: i32, %arg1: i32) -> (i32, i32, i32, i32) {
    %jit3A = arith.constant 2 : i32
    %div3A = arith.divsi %arg0, %jit3A : i32
    %sign3A = arith.constant 0 : i32
    %sign3A_0 = arith.cmpi sgt, %arg0, %sign3A : i32
    %sign3A_1 = arith.extui %sign3A_0 : i1 to i32
    %sign3A_2 = arith.constant 0 : i32
    %sign3A_3 = arith.cmpi slt, %arg0, %sign3A_2 : i32
    %sign3A_4 = arith.extui %sign3A_3 : i1 to i32
    %sign3A_5 = arith.subi %sign3A_1, %sign3A_4 : i32
    %sign3A_6 = arith.constant 0 : i32
    %sign3A_7 = arith.cmpi sgt, %jit3A, %sign3A_6 : i32
    %sign3A_8 = arith.extui %sign3A_7 : i1 to i32
    %sign3A_9 = arith.constant 0 : i32
    %sign3A_10 = arith.cmpi slt, %jit3A, %sign3A_9 : i32
    %sign3A_11 = arith.extui %sign3A_10 : i1 to i32
    %sign3A_12 = arith.subi %sign3A_8, %sign3A_11 : i32
    %ne3A = arith.cmpi ne, %sign3A_5, %sign3A_12 : i32
    %rem3A = arith.remsi %arg0, %jit3A : i32
    %ne3A_13 = arith.constant 0 : i32
    %ne3A_14 = arith.cmpi ne, %rem3A, %ne3A_13 : i32
    %and3A = arith.andi %ne3A, %ne3A_14 : i1
    %sub3A = arith.constant 1 : i32
    %sub3A_15 = arith.subi %div3A, %sub3A : i32
    %select_n3A = arith.select %and3A, %sub3A_15, %div3A : i32
    %jit3A_16 = arith.constant 2 : i32
    %eq3A = arith.constant 0 : i32
    %eq3A_17 = arith.cmpi eq, %jit3A_16, %eq3A : i32
    %jit3A_18 = arith.constant 1 : i32
    %select_n3A_19 = arith.select %eq3A_17, %jit3A_18, %jit3A_16 : i32
    %rem3A_20 = arith.remsi %arg0, %select_n3A_19 : i32
    %ne3A_21 = arith.constant 0 : i32
    %ne3A_22 = arith.cmpi ne, %rem3A_20, %ne3A_21 : i32
    %lt3A = arith.constant 0 : i32
    %lt3A_23 = arith.cmpi slt, %rem3A_20, %lt3A : i32
    %lt3A_24 = arith.constant 0 : i32
    %lt3A_25 = arith.cmpi slt, %select_n3A_19, %lt3A_24 : i32
    %ne3A_26 = arith.xori %lt3A_23, %lt3A_25 : i1
    %and3A_27 = arith.andi %ne3A_26, %ne3A_22 : i1
    %add3A = arith.addi %rem3A_20, %select_n3A_19 : i32
    %select_n3A_28 = arith.select %and3A_27, %add3A, %rem3A_20 : i32
    %sub3A_29 = arith.constant 1 : i32
    %sub3A_30 = arith.subi %sub3A_29, %select_n3A_28 : i32
    %c0_i32 = arith.constant 0 : i32
    %c0_i32_31 = arith.constant 0 : i32
    return %select_n3A, %sub3A_30, %arg1, %c0_i32 : i32, i32, i32, i32
  }
  func.func @transform_4(%arg0: i32, %arg1: i32) -> (i32, i32, i32) {
    %c0_i32 = arith.constant 0 : i32
    %c0_i32_0 = arith.constant 0 : i32
    return %arg0, %arg1, %c0_i32 : i32, i32, i32
  }
}

</mosaic_0001>

<sc_bundles>
// kernel: kernel.6.cloned.1.call-start
scs
__scs_entry_jumppad:
0x0: {  	(pc) =	sbr.rel $0x88, $3  }
0x1: {  	(tag) =	ssettag $0x0;
	lr =	simm.s32 $0x1  }
0x2: {  	[smem:$0x3F99] =	sst lr;
	_ =	strace $0xD0000000  }
0x3: {  	_ = 	snop  }
0x4: {  	_ = 	snop  }
0x5: {  	_ = 	snop  }
0x6: {  	_ = 	snop  }
0x7: {  	_ = 	snop  }
__scs_overlays_trampoline_lowered:
0x8: {  	[smem:$0x3FA8] =	sst s0  }
0x9: {  	[smem:$0x3FA9] =	sst s1  }
0xa: {  	[smem:$0x3FAA] =	sst s2  }
0xb: {  	[smem:$0x3FAB] =	sst s3  }
0xc: {  	[smem:$0x3FAC] =	sst s4  }
0xd: {  	[smem:$0x3FAD] =	sst s5  }
0xe: {  	[smem:$0x3FAE] =	sst s6  }
0xf: {  	[smem:$0x3FAF] =	sst s7  }
0x10: {  	[smem:$0x3FB0] =	sst s8  }
0x11: {  	[smem:$0x3FB1] =	sst s9;
	s0 =	simm.s32 @!p0 $0x0  }
0x12: {  	s1 =	sld [smem:$0x3F97];
	s0 =	simm.s32 @p0 $0x1  }
0x13: {  	[smem:$0x3FB2] =	sst s0;
	s0 =	simm.s32 @!p1 $0x0  }
0x14: {  	s2 =	sld [smem:$0x3F96];
	s0 =	simm.s32 @p1 $0x1  }
0x15: {  	[smem:$0x3FB3] =	sst s0;
	s0 =	simm.s32 @!p2 $0x0  }
0x16: {  	s3 =	sld [smem:$0x3FDB];
	s0 =	simm.s32 @p2 $0x1  }
0x17: {  	s4 =	simm.s32 $0x1BF5;
	[smem:$0x3FB5] =	sst s0  }
0x18: {  	s0 =	sld [smem:$0x3F98];
	_ =	swait.ge [sflag:s4], $0x0  }
0x19: {  	s7 =	sld [smem:$0x3F99]  }
0x1a: {  	s8 =	sadd.s32 $0xFFFFE003, lr  }
0x1b: {  	s9 =	sadd.s32 $0xFFFFFEF7, lr;
	s5 =	simm.s32 $0xFFFFFFFF;
	p2 =	slt.u32 s8, $0xFFFFF086  }
0x1c: {  	p1 =	slt.u32 s9, $0xF7A;
	s5 =	simm.s32 @!p2 $0x0  }
0x1d: {  	s5 =	simm.s32 @p1 $0x1;
	p0 =	seq.s32 s7, s2  }
0x1e: {  	s7 =	smul.u32 @!p0 $0xF7A, s2;
	p2 =	seq.s32 @!p0 s5, $0x0  }
0x1f: {  	s9 =	smul.u32 $0xF7A, s1;
	s8 =	simm.s32 @!p0 $0x1BF5;
	p2 =	por !p2, p0  }
0x20: {  	[sflag:s8] =	ssyncset.s32 @!p0 $0xFFFFF086;
	s6 =	sadd.s32 @!p0 s3, s7;
	s7 =	simm.s32 @!p0 $0x108  }
0x21: {  	s3 =	sadd.s32 s3, s9;
	s6 =	sadd.s32 @!p0 $0x88, s6;
	s7 =	simm.s32 @p2 $0x1082  }
0x22: {  	[simem:s7], [sflag:s8] =	dma.local @!p0 [hbm:s6], $0xF7A  }
0x23: {  	s9 =	sor.u32 $0xD0000000, s2;
	s6 =	simm.s32 $0x108;
	_ =	swait.ge @!p0 [sflag:s8], $0x0  }
0x24: {  	s3 =	sadd.s32 $0x88, s3;
	s6 =	simm.s32 @!p1 $0x1082;
	[sflag:s4] =	ssyncset.s32 $0xFFFFF086  }
0x25: {  	[simem:s6], [sflag:s4] =	dma.local [hbm:s3], $0xF7A  }
0x26: {  	[smem:$0x3F99] =	sst s1;
	(tag) =	ssettag s2;
	_ =	strace s9  }
0x27: {  	s1 =	sld [smem:$0x3FA9]  }
0x28: {  	s2 =	sld [smem:$0x3FAA]  }
0x29: {  	s4 =	sld [smem:$0x3FAC]  }
0x2a: {  	p0 =	seq.s32 s5, $0x0;
	s5 =	sld [smem:$0x3FAD]  }
0x2b: {  	s6 =	sld [smem:$0x3FAE]  }
0x2c: {  	s7 =	sld [smem:$0x3FAF]  }
0x2d: {  	s3 =	simm.s32 $0x108;
	s8 =	sld [smem:$0x3FB0]  }
0x2e: {  	s3 =	simm.s32 @!p0 $0x1082;
	s9 =	sld [smem:$0x3FB1]  }
0x2f: {  	lr =	sadd.s32 s0, s3;
	s0 =	sld [smem:$0x3FA8]  }
0x30: {  	s3 =	sld [smem:$0x3FAB]  }
0x31: {  	[smem:$0x3FB4] =	sst s10  }
0x32: {  	s10 =	sld [smem:$0x3FB2];
	_ =	sdelay $0x3  }
0x33: {  	p0 =	seq.s32 s10, $0x1;
	s10 =	sld [smem:$0x3FB4];
	_ =	sdelay $0x3  }
0x34: {  	[smem:$0x3FB4] =	sst s10  }
0x35: {  	s10 =	sld [smem:$0x3FB3];
	_ =	sdelay $0x3  }
0x36: {  	p1 =	seq.s32 s10, $0x1;
	s10 =	sld [smem:$0x3FB4];
	_ =	sdelay $0x3  }
0x37: {  	[smem:$0x3FB4] =	sst s10  }
0x38: {  	s10 =	sld [smem:$0x3FB5]  }
0x39: {  	_ = 	snop;
	(pc) =	sbr.ind lr, $3  }
0x3a: {  	_ = 	snop  }
0x3b: {  	_ = 	snop  }
0x3c: {  	p2 =	seq.s32 s10, $0x1;
	s10 =	sld [smem:$0x3FB4]  }
0x3d: {  	_ =	shalt  }
0x3e: {  	_ =	shalt  }
0x3f: {  	_ =	shalt  }
0x40: {  	_ =	shalt  }
0x41: {  	_ =	shalt  }
0x42: {  	_ =	shalt  }
0x43: {  	_ =	shalt  }
0x44: {  	_ =	shalt  }
0x45: {  	_ =	shalt  }
0x46: {  	_ =	shalt  }
0x47: {  	_ =	shalt  }
0x48: {  	_ =	shalt  }
0x49: {  	_ =	shalt  }
0x4a: {  	_ =	shalt  }
0x4b: {  	_ =	shalt  }
0x4c: {  	_ =	shalt  }
0x4d: {  	_ =	shalt  }
0x4e: {  	_ =	shalt  }
0x4f: {  	_ =	shalt  }
0x50: {  	_ =	shalt  }
0x51: {  	_ =	shalt  }
0x52: {  	_ =	shalt  }
0x53: {  	_ =	shalt  }
0x54: {  	_ =	shalt  }
0x55: {  	_ =	shalt  }
0x56: {  	_ =	shalt  }
0x57: {  	_ =	shalt  }
0x58: {  	_ =	shalt  }
0x59: {  	_ =	shalt  }
0x5a: {  	_ =	shalt  }
0x5b: {  	_ =	shalt  }
0x5c: {  	_ =	shalt  }
0x5d: {  	_ =	shalt  }
0x5e: {  	_ =	shalt  }
0x5f: {  	_ =	shalt  }
0x60: {  	_ =	shalt  }
0x61: {  	_ =	shalt  }
0x62: {  	_ =	shalt  }
0x63: {  	_ =	shalt  }
0x64: {  	_ =	shalt  }
0x65: {  	_ =	shalt  }
0x66: {  	_ =	shalt  }
0x67: {  	_ =	shalt  }
0x68: {  	_ =	shalt  }
0x69: {  	_ =	shalt  }
0x6a: {  	_ =	shalt  }
0x6b: {  	_ =	shalt  }
0x6c: {  	_ =	shalt  }
0x6d: {  	_ =	shalt  }
0x6e: {  	_ =	shalt  }
0x6f: {  	_ =	shalt  }
0x70: {  	_ =	shalt  }
0x71: {  	_ =	shalt  }
0x72: {  	_ =	shalt  }
0x73: {  	_ =	shalt  }
0x74: {  	_ =	shalt  }
0x75: {  	_ =	shalt  }
0x76: {  	_ =	shalt  }
0x77: {  	_ =	shalt  }
0x78: {  	_ =	shalt  }
0x79: {  	_ =	shalt  }
0x7a: {  	_ =	shalt  }
0x7b: {  	_ =	shalt  }
0x7c: {  	_ =	shalt  }
0x7d: {  	_ =	shalt  }
0x7e: {  	_ =	shalt  }
0x7f: {  	_ =	shalt  }
0x80: {  	_ =	shalt  }
0x81: {  	_ =	shalt  }
0x82: {  	_ =	shalt  }
0x83: {  	_ =	shalt  }
0x84: {  	_ =	shalt  }
0x85: {  	_ =	shalt  }
0x86: {  	_ =	shalt  }
0x87: {  	_ =	shalt  }
.Lfunc_end0:
.L_simem_size_0:
called_computation_lowered:
.L_overlay_start_0:
0x88: {  	s2 =	sld [smem:$0x3FD9]  }
0x89: {  	s3 =	sld [smem:$0x3FFE];
	_ =	sdelay $0x1  }
0x8a: {  	s1 =	srdreg.scid  }
0x8b: {  	s0 =	sand.u32 $0x1, s1  }
0x8c: {  	s14 =	sshll.u32 s0, $0xA;
	s2 =	sadd.s32 s3, s2  }
0x8d: {  	s2 =	sadd.s32 s2, s14  }
0x8e: {  	[smem:$0x3FC0] =	sst s2  }
0x8f: {  	_ = 	snop  }
0x90: {  	s2 =	sld [smem:$0x3FD0];
	_ =	sdelay $0x2  }
0x91: {  	s15 =	simm.s32 $0xA;
	s4 =	simm.s32 $0x10  }
0x92: {  	[smem:s4], [sflag:s15] =	dma.local [hbm:s2], $0x1  }
0x93: {  	_ =	swait.eq [sflag:s15], $0x1  }
0x94: {  	[sflag:s15] =	ssyncset.done $0x0  }
0x95: {  	s16 =	sld [smem:$0x11];
	[sflag:s15] =	ssyncadd.s32 $0xFFFFFFFF  }
0x96: {  	s17 =	sld [smem:$0x13];
	(tm) =	ssettm $0x1  }
0x97: {  	s18 =	sld [smem:$0x3FFB];
	_ =	sdelay $0x3  }
0x98: {  	_ =	strace s18  }
0x99: {  	s4 =	sld [smem:$0x3FFC];
	_ =	sdelay $0x3  }
0x9a: {  	_ =	strace s4  }
0x9b: {  	s4 =	sld [smem:$0x3FFD];
	_ =	sdelay $0x3  }
0x9c: {  	_ =	strace s4  }
0x9d: {  	_ =	strace $0x8FFFFFFF  }
0x9e: {  	s19 =	sld [smem:$0x3FDB];
	_ =	sdelay $0x1  }
0x9f: {  	s5 =	simm.s32 $_scs_section_size  }
0xa0: {  	s6 =	simm.s32 $_size__tile_overlayer_lowered;
	s7 =	simm.s32 $_tile_overlayer_lowered  }
0xa1: {  	s22 =	simm.s32 $0x1BFF;
	s21 =	sshll.u32 s7, $0x1;
	s4 =	sadd.s32 s5, s19  }
0xa2: {  	s8 =	simm.s32 $0x0;
	s20 =	sshll.u32 s6, $0x1;
	s6 =	sadd.s32 s21, s4  }
0xa3: {  	[timem:s8], [sflag:s22] =	dma.local [hbm:s6], s20  }
0xa4: {  	_ =	swait.ge [sflag:s22], s20  }
0xa5: {  	s5 =	ssub.s32 $0x0, s20;
	[sflag:s22] =	ssyncset.done $0x0  }
0xa6: {  	[sflag:s22] =	ssyncadd.s32 s5;
	_ =	sdelay $0x1  }
0xa7: {  	s23 =	simm.s32 $0x1B8B  }
0xa8: {  	_ =	swait.ge [sflag:s23], $0x1  }
0xa9: {  	[sflag:s23] =	ssyncset.done $0x0  }
0xaa: {  	s25 =	simm.s32 $0x1B8E;
	s24 =	sld [smem:$0x3FFE];
	[sflag:s23] =	ssyncadd.s32 $0xFFFFFFFF  }
0xab: {  	s26 =	simm.s32 $execute0_lowered;
	[smem:$0x3FD2] =	sst s25  }
0xac: {  	s6 =	sshll.u32 s26, $0x1;
	_ =	strace $0x80000046;
	[dreg:$0x1] =	wrdreg $0xFFFFFFFF  }
0xad: {  	s28 =	simm.s32 $_size_execute0_lowered;
	s4 =	sadd.s32 s4, s6;
	[dreg:$0x0] =	wrdreg $0x0  }
0xae: {  	s6 =	sshll.u32 s28, $0x1;
	[dreg:$0x2] =	wrdreg s4  }
0xaf: {  	[dreg:$0x3] =	wrdreg s6  }
0xb0: {  	[dreg:$0x4] =	wrdreg $0xC0  }
0xb1: {  	_ =	task [dreg:s8], $0x5FFFF  }
0xb2: {  	[dreg:$0x1] =	wrdreg $0xFFFFFFFF  }
0xb3: {  	[dreg:$0x0] =	wrdreg $0x60  }
0xb4: {  	[dreg:$0x2] =	wrdreg s16  }
0xb5: {  	[dreg:$0x3] =	wrdreg s24  }
0xb6: {  	[dreg:$0x4] =	wrdreg s17  }
0xb7: {  	[dreg:$0x5] =	wrdreg $0x90000  }
0xb8: {  	[dreg:$0x6] =	wrdreg $0x9  }
0xb9: {  	_ =	task.clear_ibuf [dreg:s8], $0x7FFFF;
	_ =	strace $0x90000046  }
0xba: {  	s29 =	simm.s32 $0x9;
	_ =	strace $0x80000048  }
0xbb: {  	_ =	swait.ge [sflag:s29], $0x1  }
0xbc: {  	[sflag:s29] =	ssyncadd.s32 $0xFFFFFFFF  }
0xbd: {  	_ =	strace $0x90000048  }
0xbe: {  	_ =	sfence  }
0xbf: {  	s30 =	sld [smem:$0x0];
	_ =	sdelay $0x2  }
0xc0: {  	s31 =	sshll.u32 s1, $0xD;
	s1 =	sshrl.u32 s1, $0x2  }
0xc1: {  	s3 =	sand.u32 $0x4000, s31;
	s1 =	sadd.s32 s1, s30  }
0xc2: {  	s0 =	sor.u32 s3, s0;
	s1 =	sshll.u32 s1, $0x11  }
0xc3: {  	s0 =	sor.u32 s1, s0  }
0xc4: {  	s0 =	sadd.s32 $0x8F2B, s0  }
0xc5: {  	[sflag:s0] =	ssyncadd.remote.s32 $0x1  }
0xc6: {  	_ =	sfence.sel $0xFFFF  }
0xc7: {  	[dreg:$0x0] =	wrdreg $0xFFFFFFFF;
	(pc) =	sbr.abs _section_cstart, $3  }
0xc8: {  	[dreg:$0x1] =	wrdreg $0xFFFFFFFF  }
0xc9: {  	_ =	task.clear_ibuf [dreg:s8], $0x2FFFF;
	_ =	strace $0x9FFFFFFF  }
0xca: {  	(tm) =	ssettm $0x7FFFFFFF  }
0xcb: {  	_ =	shalt  }
tec
execute0_lowered:
.L_overlay_start_1:
0x0: {  	(tag) =	ssettag $0x1  }
0x1: {  	s5 =	rddreg [dreg:$0x0]  }
0x2: {  	s4 =	rddreg [dreg:$0x1]  }
0x3: {  	s6 =	rddreg [dreg:$0x2]  }
0x4: {  	s1 =	rddreg [dreg:$0x3]  }
0x5: {  	s0 =	rddreg [dreg:$0x4];
	s3 =	simm.s32 $0x0;
	s2 =	srdreg.scid  }
0x6: {  	s14 =	simm.s32 $0x80;
	[smem:$0x7FF] =	sst s3;
	s7 =	sand.u32 $0x1, s2  }
0x7: {  	s15 =	simm.s32 $0x0;
	s2 =	stileid.u32;
	s8 =	smul.u32 $0x50000, s7  }
0x8: {  	s4 =	sadd.s32 $0x2200, s4;
	_ =	strace $0x80000047;
	s9 =	smul.u32 $0x2800, s2  }
0x9: {  	s10 =	ssub.s32 $0x2, s7;
	s7 =	smul.u32 $0x5000, s7;
	s12 =	sshll.u32 s2, $0xA  }
0xa: {  	v0 =	vlaneseq.u32;
	p0 =	sgt.u32 s2, $0x9;
	s11 =	sshrl.u32 s10, $0x1;
	s13 =	sadd.s32 s12, s1  }
0xb: {  	v0 =	vmul.u32 $0x80, v0;
	s8 =	sadd.s32 s9, s8;
	s31 =	ssub.s32 s10, s11;
	s7 =	sadd.s32 s12, s7  }
0xc: {  	s12 =	sshll.u32 @!p0 s2, $0x6;
	s10 =	simm.s32 $0x5000;
	s11 =	simm.s32 $0x1  }
0xd: {  	v1 =	vimm.f32 $1.000000000e+00;
	v9 =	vimm.f32 $0.0e+00;
	v2 =	vor.u32 $0x800, v0;
	s13 =	sshrl.u32 @!p0 s13, $0x3;
	s8 =	sshrl.u32 s8, $0x3;
	s7 =	sshrl.u32 s7, $0x3  }
0xe: {  	v3 =	vor.u32 $0x1000, v0;
	v4 =	vor.u32 $0x1800, v0;
	v5 =	vor.u32 $0x2000, v0;
	s9 =	smax.u32 s31, $0x1;
	s5 =	sadd.s32 s5, s8;
	s6 =	sadd.s32 s6, s7  }
0xf: {  	v6 =	vor.u32 $0x2800, v0;
	v7 =	vor.u32 $0x3000, v0;
	v8 =	vor.u32 $0x3800, v0;
	s12 =	sor.u32 @!p0 $0x1C01, s12;
	s7 =	sadd.s32 $0x5000, s5;
	s8 =	sadd.s32 $0x500, s6  }
.LBB2_1:
0x10: {  	[tilespmem:s10], [sflag:$0x1] =	stream.linear.gather [hbm4b:s4+s3], $0x4000, $0x38;
	[tilespmem:$0x9280] =	vst v63  }
0x11: {  	_ =	swait.ge [sflag:s11], $0x4000  }
0x12: {  	[sflag:s11] =	ssyncset.done $0x0  }
0x13: {  	s16 =	simm.s32 @!p0 $0x1;
	[sflag:s11] =	ssyncadd.s32 $0xFFFFC000  }
0x14: {  	[spmem:s13], [sflag:s12] =	dma.local @!p0 [hbm:s4], $0x80  }
0x15: {  	_ =	swait.ge @!p0 [sflag:s16], $0x80  }
0x16: {  	[sflag:s16] =	ssyncset.done @!p0 $0x0  }
0x17: {  	[sflag:s16] =	ssyncadd.s32 @!p0 $0xFFFFFF80  }
0x18: {  	[tilespmem:s3], [sflag:$0x1] =	stream.linear.gather [hbm4b:s5+s3], $0x2800, $0x38;
	[tilespmem:$0x9280] =	vst v63  }
0x19: {  	_ =	swait.ge [sflag:s11], $0x2800  }
0x1a: {  	[sflag:s11] =	ssyncset.done $0x0  }
0x1b: {  	s17 =	simm.s32 $0x0;
	[sflag:s11] =	ssyncadd.s32 $0xFFFFD800  }
0x1c: {  	v11 =	vld [tilespmem:s17+$0x70]  }
0x1d: {  	v14 =	vld [tilespmem:s17+$0x0]  }
0x1e: {  	v15 =	vld [tilespmem:s17+$0x10]  }
0x1f: {  	v13 =	vld [tilespmem:s17+$0x20]  }
0x20: {  	v12 =	vld [tilespmem:s17+$0x30]  }
0x21: {  	v10 =	vld [tilespmem:s17+$0x40];
	v16 =	vshrl.u32 v11, $0x7  }
0x22: {  	v11 =	vld [tilespmem:s17+$0x50];
	v14 =	vshrl.u32 v14, $0x7;
	[tilespmem:s17+$0x2870] =	vst v16  }
0x23: {  	s18 =	simm.s32 $0x400;
	s16 =	simm.s32 $0x80;
	v15 =	vshrl.u32 v15, $0x7;
	[tilespmem:s17+$0x2800] =	vst v14;
	v14 =	vld [tilespmem:s17+$0x60]  }
.LBB2_2:
0x24: {  	p1 =	sne.s32 s18, $0x9E00;
	v16 =	vld [tilespmem:s16+$0x70];
	[tilespmem:s17+$0x2810] =	vst v15;
	v13 =	vshrl.u32 v13, $0x7  }
0x25: {  	v15 =	vld [tilespmem:s16+$0x0];
	[tilespmem:s17+$0x2820] =	vst v13;
	v12 =	vshrl.u32 v12, $0x7  }
0x26: {  	v17 =	vld [tilespmem:s16+$0x10];
	[tilespmem:s17+$0x2830] =	vst v12;
	v10 =	vshrl.u32 v10, $0x7  }
.Ltmp0:
0x27: {  	v13 =	vld [tilespmem:s16+$0x20];
	[tilespmem:s17+$0x2840] =	vst v10;
	v10 =	vshrl.u32 v11, $0x7;
	(pc) =	sbr.rel @p1 .LBB2_2-.Ltmp0, $4  }
0x28: {  	v12 =	vld [tilespmem:s16+$0x30];
	[tilespmem:s17+$0x2850] =	vst v10;
	v11 =	vshrl.u32 v14, $0x7  }
0x29: {  	v10 =	vld [tilespmem:s16+$0x40];
	v14 =	vshrl.u32 v16, $0x7;
	[tilespmem:s17+$0x2860] =	vst v11;
	s17 =	smov.u32 s16  }
0x2a: {  	v15 =	vshrl.u32 v15, $0x7;
	v11 =	vld [tilespmem:s17+$0x50];
	[tilespmem:s17+$0x2870] =	vst v14  }
0x2b: {  	s16 =	sshra.s32 s18, $0x2;
	s18 =	sadd.s32 $0x200, s18;
	[tilespmem:s17+$0x2800] =	vst v15;
	v15 =	vshrl.u32 v17, $0x7;
	v14 =	vld [tilespmem:s17+$0x60]  }
0x2c: {  	v16 =	vld [tilespmem:s16+$0x70];
	[tilespmem:s17+$0x2810] =	vst v15;
	v13 =	vshrl.u32 v13, $0x7  }
0x2d: {  	v15 =	vld [tilespmem:s16+$0x0];
	[tilespmem:s17+$0x2820] =	vst v13;
	v12 =	vshrl.u32 v12, $0x7  }
0x2e: {  	v13 =	vld [tilespmem:s16+$0x10];
	[tilespmem:s17+$0x2830] =	vst v12;
	v10 =	vshrl.u32 v10, $0x7  }
0x2f: {  	v12 =	vld [tilespmem:s16+$0x20];
	[tilespmem:s17+$0x2840] =	vst v10;
	v10 =	vshrl.u32 v11, $0x7  }
0x30: {  	v11 =	vld [tilespmem:s16+$0x30];
	[tilespmem:s17+$0x2850] =	vst v10;
	v10 =	vshrl.u32 v14, $0x7  }
0x31: {  	v61 =	vld [tilespmem:s16+$0x40];
	[tilespmem:s17+$0x2860] =	vst v10;
	v10 =	vshrl.u32 v16, $0x7  }
0x32: {  	v62 =	vld [tilespmem:s16+$0x50];
	v15 =	vshrl.u32 v15, $0x7;
	[tilespmem:s16+$0x2870] =	vst v10  }
0x33: {  	v63 =	vld [tilespmem:s16+$0x60];
	[tilespmem:s16+$0x2800] =	vst v15;
	v10 =	vshrl.u32 v13, $0x7  }
0x34: {  	[tilespmem:s16+$0x2810] =	vst v10;
	v10 =	vshrl.u32 v12, $0x7  }
0x35: {  	[tilespmem:s16+$0x2820] =	vst v10;
	v10 =	vshrl.u32 v11, $0x7  }
0x36: {  	[tilespmem:s16+$0x2830] =	vst v10;
	v10 =	vshrl.u32 v61, $0x7  }
0x37: {  	[tilespmem:s16+$0x2840] =	vst v10;
	v10 =	vshrl.u32 v62, $0x7  }
0x38: {  	[tilespmem:s16+$0x2850] =	vst v10;
	v10 =	vshrl.u32 v63, $0x7  }
0x39: {  	[tilespmem:s16+$0x2860] =	vst v10  }
0x3a: {  	s16 =	simm.s32 $0x0;
	[bflag:$0x0] =	sbarrier.arrive $0xFFFF  }
.LBB2_4:
0x3b: {  	s17 =	sshra.s32 s16, $0x2  }
0x3c: {  	v10 =	vld [tilespmem:s17+$0x0];
	_ =	sdelay $0x4  }
0x3d: {  	v10 =	vand.u32 $0x7F, v10  }
0x3e: {  	v10 =	vor.u32 v0, v10;
	_ =	sdelay $0x4  }
0x3f: {  	[tilespmem:v10+s10+$0x0] =	vst.idx.msk $0xffff, v1  }
0x40: {  	v10 =	vld [tilespmem:s17+$0x10];
	_ =	sdelay $0x4  }
0x41: {  	v10 =	vand.u32 $0x7F, v10  }
0x42: {  	v10 =	vor.u32 v2, v10;
	_ =	sdelay $0x4  }
0x43: {  	[tilespmem:v10+s10+$0x0] =	vst.idx.msk $0xffff, v1  }
0x44: {  	v10 =	vld [tilespmem:s17+$0x20];
	_ =	sdelay $0x4  }
0x45: {  	v10 =	vand.u32 $0x7F, v10  }
0x46: {  	v10 =	vor.u32 v3, v10;
	_ =	sdelay $0x4  }
0x47: {  	[tilespmem:v10+s10+$0x0] =	vst.idx.msk $0xffff, v1  }
0x48: {  	v10 =	vld [tilespmem:s17+$0x30];
	_ =	sdelay $0x4  }
0x49: {  	v10 =	vand.u32 $0x7F, v10  }
0x4a: {  	v10 =	vor.u32 v4, v10;
	_ =	sdelay $0x4  }
0x4b: {  	[tilespmem:v10+s10+$0x0] =	vst.idx.msk $0xffff, v1  }
0x4c: {  	v10 =	vld [tilespmem:s17+$0x40];
	_ =	sdelay $0x4  }
0x4d: {  	v10 =	vand.u32 $0x7F, v10  }
0x4e: {  	v10 =	vor.u32 v5, v10;
	_ =	sdelay $0x4  }
0x4f: {  	[tilespmem:v10+s10+$0x0] =	vst.idx.msk $0xffff, v1  }
0x50: {  	v10 =	vld [tilespmem:s17+$0x50];
	_ =	sdelay $0x4  }
0x51: {  	v10 =	vand.u32 $0x7F, v10  }
0x52: {  	v10 =	vor.u32 v6, v10;
	_ =	sdelay $0x4  }
0x53: {  	[tilespmem:v10+s10+$0x0] =	vst.idx.msk $0xffff, v1  }
0x54: {  	v10 =	vld [tilespmem:s17+$0x60];
	_ =	sdelay $0x4  }
0x55: {  	v10 =	vand.u32 $0x7F, v10  }
0x56: {  	v10 =	vor.u32 v7, v10;
	_ =	sdelay $0x4  }
0x57: {  	[tilespmem:v10+s10+$0x0] =	vst.idx.msk $0xffff, v1  }
0x58: {  	v10 =	vld [tilespmem:s17+$0x70];
	_ =	sdelay $0x4  }
0x59: {  	v10 =	vand.u32 $0x7F, v10  }
0x5a: {  	v10 =	vor.u32 v8, v10;
	_ =	sdelay $0x4  }
0x5b: {  	s18 =	sadd.s32 $0x2800, s17;
	[tilespmem:v10+s10+$0x0] =	vst.idx.msk $0xffff, v1  }
0x5c: {  	[spmem:s1] =	stream.indirect.scatter.add.f32 [tilespmem:s10], [sflag:$0x1], $0x80, s18, s14, $0xb8;
	[tilespmem:$0x9280] =	vst v63  }
0x5d: {  	_ =	swait.ge [sflag:s11], $0x4000  }
0x5e: {  	[sflag:s11] =	ssyncset.done $0x0  }
0x5f: {  	[sflag:s11] =	ssyncadd.s32 $0xFFFFC000  }
0x60: {  	v10 =	vld [tilespmem:s17+$0x0];
	_ =	sdelay $0x4  }
0x61: {  	v10 =	vand.u32 $0x7F, v10  }
0x62: {  	v10 =	vor.u32 v0, v10;
	_ =	sdelay $0x4  }
0x63: {  	[tilespmem:v10+s10+$0x0] =	vst.idx.msk $0xffff, v9  }
0x64: {  	v10 =	vld [tilespmem:s17+$0x10];
	_ =	sdelay $0x4  }
0x65: {  	v10 =	vand.u32 $0x7F, v10  }
0x66: {  	v10 =	vor.u32 v2, v10;
	_ =	sdelay $0x4  }
0x67: {  	[tilespmem:v10+s10+$0x0] =	vst.idx.msk $0xffff, v9  }
0x68: {  	v10 =	vld [tilespmem:s17+$0x20];
	_ =	sdelay $0x4  }
0x69: {  	v10 =	vand.u32 $0x7F, v10  }
0x6a: {  	v10 =	vor.u32 v3, v10;
	_ =	sdelay $0x4  }
0x6b: {  	[tilespmem:v10+s10+$0x0] =	vst.idx.msk $0xffff, v9  }
0x6c: {  	v10 =	vld [tilespmem:s17+$0x30];
	_ =	sdelay $0x4  }
0x6d: {  	v10 =	vand.u32 $0x7F, v10  }
0x6e: {  	v10 =	vor.u32 v4, v10;
	_ =	sdelay $0x4  }
0x6f: {  	[tilespmem:v10+s10+$0x0] =	vst.idx.msk $0xffff, v9  }
0x70: {  	v10 =	vld [tilespmem:s17+$0x40];
	_ =	sdelay $0x4  }
0x71: {  	v10 =	vand.u32 $0x7F, v10  }
0x72: {  	v10 =	vor.u32 v5, v10;
	_ =	sdelay $0x4  }
0x73: {  	[tilespmem:v10+s10+$0x0] =	vst.idx.msk $0xffff, v9  }
0x74: {  	v10 =	vld [tilespmem:s17+$0x50];
	_ =	sdelay $0x4  }
0x75: {  	v10 =	vand.u32 $0x7F, v10  }
0x76: {  	v10 =	vor.u32 v6, v10;
	_ =	sdelay $0x4  }
0x77: {  	[tilespmem:v10+s10+$0x0] =	vst.idx.msk $0xffff, v9  }
0x78: {  	v10 =	vld [tilespmem:s17+$0x60];
	_ =	sdelay $0x4  }
0x79: {  	v10 =	vand.u32 $0x7F, v10  }
0x7a: {  	v10 =	vor.u32 v7, v10;
	_ =	sdelay $0x4  }
0x7b: {  	[tilespmem:v10+s10+$0x0] =	vst.idx.msk $0xffff, v9  }
0x7c: {  	v10 =	vld [tilespmem:s17+$0x70];
	_ =	sdelay $0x4  }
0x7d: {  	v10 =	vand.u32 $0x7F, v10  }
0x7e: {  	p1 =	sne.s32 s16, $0x9E00;
	v10 =	vor.u32 v8, v10  }
.Ltmp1:
0x7f: {  	_ = 	snop;
	(pc) =	sbr.rel @p1 .LBB2_4-.Ltmp1, $2  }
0x80: {  	_ =	sdelay $0x2  }
0x81: {  	s16 =	sadd.s32 $0x200, s16;
	[tilespmem:v10+s10+$0x0] =	vst.idx.msk $0xffff, v9  }
0x82: {  	[bflag:$0x0] =	sbarrier.arrive $0xFFFF  }
0x83: {  	s16 =	simm.s32 @!p0 $0x1;
	[bflag:$0x0] =	sbarrier.arrive @p0 $0xFFFF  }
0x84: {  	[hbm:s6], [sflag:s12] =	dma.local @!p0 [spmem:s13], $0x80  }
0x85: {  	_ =	swait.ge @!p0 [sflag:s16], $0x80  }
0x86: {  	[sflag:s16] =	ssyncset.done @!p0 $0x0  }
0x87: {  	[sflag:s16] =	ssyncadd.s32 @!p0 $0xFFFFFF80  }
0x88: {  	[bflag:$0x0] =	sbarrier.arrive @!p0 $0xFFFF  }
0x89: {  	[spmem:s13], [sflag:s12] =	dma.local @!p0 [hbm:s4], $0x80  }
0x8a: {  	_ =	swait.ge @!p0 [sflag:s16], $0x80  }
0x8b: {  	[sflag:s16] =	ssyncset.done @!p0 $0x0  }
0x8c: {  	s31 =	simm.s32 $0x0;
	[sflag:s16] =	ssyncadd.s32 @!p0 $0xFFFFFF80  }
0x8d: {  	[tilespmem:s31], [sflag:$0x1] =	stream.linear.gather [hbm4b:s7+s31], $0x2800, $0x38;
	[tilespmem:$0x9280] =	vst v63  }
0x8e: {  	_ =	swait.ge [sflag:s11], $0x2800  }
0x8f: {  	[sflag:s11] =	ssyncset.done $0x0  }
0x90: {  	s17 =	simm.s32 $0x0;
	[sflag:s11] =	ssyncadd.s32 $0xFFFFD800  }
0x91: {  	v11 =	vld [tilespmem:s17+$0x70]  }
0x92: {  	v14 =	vld [tilespmem:s17+$0x0]  }
0x93: {  	v15 =	vld [tilespmem:s17+$0x10]  }
0x94: {  	v13 =	vld [tilespmem:s17+$0x20]  }
0x95: {  	v12 =	vld [tilespmem:s17+$0x30]  }
0x96: {  	v10 =	vld [tilespmem:s17+$0x40];
	v16 =	vshrl.u32 v11, $0x7  }
0x97: {  	v11 =	vld [tilespmem:s17+$0x50];
	v14 =	vshrl.u32 v14, $0x7;
	[tilespmem:s17+$0x2870] =	vst v16  }
0x98: {  	s18 =	simm.s32 $0x400;
	s16 =	simm.s32 $0x80;
	v15 =	vshrl.u32 v15, $0x7;
	[tilespmem:s17+$0x2800] =	vst v14;
	v14 =	vld [tilespmem:s17+$0x60]  }
.LBB2_6:
0x99: {  	p1 =	sne.s32 s18, $0x9E00;
	v16 =	vld [tilespmem:s16+$0x70];
	[tilespmem:s17+$0x2810] =	vst v15;
	v13 =	vshrl.u32 v13, $0x7  }
0x9a: {  	v15 =	vld [tilespmem:s16+$0x0];
	[tilespmem:s17+$0x2820] =	vst v13;
	v12 =	vshrl.u32 v12, $0x7  }
0x9b: {  	v17 =	vld [tilespmem:s16+$0x10];
	[tilespmem:s17+$0x2830] =	vst v12;
	v10 =	vshrl.u32 v10, $0x7  }
.Ltmp2:
0x9c: {  	v13 =	vld [tilespmem:s16+$0x20];
	[tilespmem:s17+$0x2840] =	vst v10;
	v10 =	vshrl.u32 v11, $0x7;
	(pc) =	sbr.rel @p1 .LBB2_6-.Ltmp2, $4  }
0x9d: {  	v12 =	vld [tilespmem:s16+$0x30];
	[tilespmem:s17+$0x2850] =	vst v10;
	v11 =	vshrl.u32 v14, $0x7  }
0x9e: {  	v10 =	vld [tilespmem:s16+$0x40];
	v14 =	vshrl.u32 v16, $0x7;
	[tilespmem:s17+$0x2860] =	vst v11;
	s17 =	smov.u32 s16  }
0x9f: {  	v15 =	vshrl.u32 v15, $0x7;
	v11 =	vld [tilespmem:s17+$0x50];
	[tilespmem:s17+$0x2870] =	vst v14  }
0xa0: {  	s16 =	sshra.s32 s18, $0x2;
	s18 =	sadd.s32 $0x200, s18;
	[tilespmem:s17+$0x2800] =	vst v15;
	v15 =	vshrl.u32 v17, $0x7;
	v14 =	vld [tilespmem:s17+$0x60]  }
0xa1: {  	v16 =	vld [tilespmem:s16+$0x70];
	[tilespmem:s17+$0x2810] =	vst v15;
	v13 =	vshrl.u32 v13, $0x7  }
0xa2: {  	v15 =	vld [tilespmem:s16+$0x0];
	[tilespmem:s17+$0x2820] =	vst v13;
	v12 =	vshrl.u32 v12, $0x7  }
0xa3: {  	v13 =	vld [tilespmem:s16+$0x10];
	[tilespmem:s17+$0x2830] =	vst v12;
	v10 =	vshrl.u32 v10, $0x7  }
0xa4: {  	v12 =	vld [tilespmem:s16+$0x20];
	[tilespmem:s17+$0x2840] =	vst v10;
	v10 =	vshrl.u32 v11, $0x7  }
0xa5: {  	v11 =	vld [tilespmem:s16+$0x30];
	[tilespmem:s17+$0x2850] =	vst v10;
	v10 =	vshrl.u32 v14, $0x7  }
0xa6: {  	v61 =	vld [tilespmem:s16+$0x40];
	[tilespmem:s17+$0x2860] =	vst v10;
	v10 =	vshrl.u32 v16, $0x7  }
0xa7: {  	v62 =	vld [tilespmem:s16+$0x50];
	v15 =	vshrl.u32 v15, $0x7;
	[tilespmem:s16+$0x2870] =	vst v10  }
0xa8: {  	v63 =	vld [tilespmem:s16+$0x60];
	[tilespmem:s16+$0x2800] =	vst v15;
	v10 =	vshrl.u32 v13, $0x7  }
0xa9: {  	[tilespmem:s16+$0x2810] =	vst v10;
	v10 =	vshrl.u32 v12, $0x7  }
0xaa: {  	[tilespmem:s16+$0x2820] =	vst v10;
	v10 =	vshrl.u32 v11, $0x7  }
0xab: {  	[tilespmem:s16+$0x2830] =	vst v10;
	v10 =	vshrl.u32 v61, $0x7  }
0xac: {  	[tilespmem:s16+$0x2840] =	vst v10;
	v10 =	vshrl.u32 v62, $0x7  }
0xad: {  	[tilespmem:s16+$0x2850] =	vst v10;
	v10 =	vshrl.u32 v63, $0x7  }
0xae: {  	[tilespmem:s16+$0x2860] =	vst v10  }
0xaf: {  	s16 =	simm.s32 $0x0;
	[bflag:$0x0] =	sbarrier.arrive $0xFFFF  }
.LBB2_8:
0xb0: {  	s17 =	sshra.s32 s16, $0x2  }
0xb1: {  	v10 =	vld [tilespmem:s17+$0x0];
	_ =	sdelay $0x4  }
0xb2: {  	v10 =	vand.u32 $0x7F, v10  }
0xb3: {  	v10 =	vor.u32 v0, v10;
	_ =	sdelay $0x4  }
0xb4: {  	[tilespmem:v10+s10+$0x0] =	vst.idx.msk $0xffff, v1  }
0xb5: {  	v10 =	vld [tilespmem:s17+$0x10];
	_ =	sdelay $0x4  }
0xb6: {  	v10 =	vand.u32 $0x7F, v10  }
0xb7: {  	v10 =	vor.u32 v2, v10;
	_ =	sdelay $0x4  }
0xb8: {  	[tilespmem:v10+s10+$0x0] =	vst.idx.msk $0xffff, v1  }
0xb9: {  	v10 =	vld [tilespmem:s17+$0x20];
	_ =	sdelay $0x4  }
0xba: {  	v10 =	vand.u32 $0x7F, v10  }
0xbb: {  	v10 =	vor.u32 v3, v10;
	_ =	sdelay $0x4  }
0xbc: {  	[tilespmem:v10+s10+$0x0] =	vst.idx.msk $0xffff, v1  }
0xbd: {  	v10 =	vld [tilespmem:s17+$0x30];
	_ =	sdelay $0x4  }
0xbe: {  	v10 =	vand.u32 $0x7F, v10  }
0xbf: {  	v10 =	vor.u32 v4, v10;
	_ =	sdelay $0x4  }
0xc0: {  	[tilespmem:v10+s10+$0x0] =	vst.idx.msk $0xffff, v1  }
0xc1: {  	v10 =	vld [tilespmem:s17+$0x40];
	_ =	sdelay $0x4  }
0xc2: {  	v10 =	vand.u32 $0x7F, v10  }
0xc3: {  	v10 =	vor.u32 v5, v10;
	_ =	sdelay $0x4  }
0xc4: {  	[tilespmem:v10+s10+$0x0] =	vst.idx.msk $0xffff, v1  }
0xc5: {  	v10 =	vld [tilespmem:s17+$0x50];
	_ =	sdelay $0x4  }
0xc6: {  	v10 =	vand.u32 $0x7F, v10  }
0xc7: {  	v10 =	vor.u32 v6, v10;
	_ =	sdelay $0x4  }
0xc8: {  	[tilespmem:v10+s10+$0x0] =	vst.idx.msk $0xffff, v1  }
0xc9: {  	v10 =	vld [tilespmem:s17+$0x60];
	_ =	sdelay $0x4  }
0xca: {  	v10 =	vand.u32 $0x7F, v10  }
0xcb: {  	v10 =	vor.u32 v7, v10;
	_ =	sdelay $0x4  }
0xcc: {  	[tilespmem:v10+s10+$0x0] =	vst.idx.msk $0xffff, v1  }
0xcd: {  	v10 =	vld [tilespmem:s17+$0x70];
	_ =	sdelay $0x4  }
0xce: {  	v10 =	vand.u32 $0x7F, v10  }
0xcf: {  	v10 =	vor.u32 v8, v10;
	_ =	sdelay $0x4  }
0xd0: {  	s18 =	sadd.s32 $0x2800, s17;
	[tilespmem:v10+s10+$0x0] =	vst.idx.msk $0xffff, v1  }
0xd1: {  	[spmem:s1] =	stream.indirect.scatter.add.f32 [tilespmem:s10], [sflag:$0x1], $0x80, s18, s14, $0xb8;
	[tilespmem:$0x9280] =	vst v63  }
0xd2: {  	_ =	swait.ge [sflag:s11], $0x4000  }
0xd3: {  	[sflag:s11] =	ssyncset.done $0x0  }
0xd4: {  	[sflag:s11] =	ssyncadd.s32 $0xFFFFC000  }
0xd5: {  	v10 =	vld [tilespmem:s17+$0x0];
	_ =	sdelay $0x4  }
0xd6: {  	v10 =	vand.u32 $0x7F, v10  }
0xd7: {  	v10 =	vor.u32 v0, v10;
	_ =	sdelay $0x4  }
0xd8: {  	[tilespmem:v10+s10+$0x0] =	vst.idx.msk $0xffff, v9  }
0xd9: {  	v10 =	vld [tilespmem:s17+$0x10];
	_ =	sdelay $0x4  }
0xda: {  	v10 =	vand.u32 $0x7F, v10  }
0xdb: {  	v10 =	vor.u32 v2, v10;
	_ =	sdelay $0x4  }
0xdc: {  	[tilespmem:v10+s10+$0x0] =	vst.idx.msk $0xffff, v9  }
0xdd: {  	v10 =	vld [tilespmem:s17+$0x20];
	_ =	sdelay $0x4  }
0xde: {  	v10 =	vand.u32 $0x7F, v10  }
0xdf: {  	v10 =	vor.u32 v3, v10;
	_ =	sdelay $0x4  }
0xe0: {  	[tilespmem:v10+s10+$0x0] =	vst.idx.msk $0xffff, v9  }
0xe1: {  	v10 =	vld [tilespmem:s17+$0x30];
	_ =	sdelay $0x4  }
0xe2: {  	v10 =	vand.u32 $0x7F, v10  }
0xe3: {  	v10 =	vor.u32 v4, v10;
	_ =	sdelay $0x4  }
0xe4: {  	[tilespmem:v10+s10+$0x0] =	vst.idx.msk $0xffff, v9  }
0xe5: {  	v10 =	vld [tilespmem:s17+$0x40];
	_ =	sdelay $0x4  }
0xe6: {  	v10 =	vand.u32 $0x7F, v10  }
0xe7: {  	v10 =	vor.u32 v5, v10;
	_ =	sdelay $0x4  }
0xe8: {  	[tilespmem:v10+s10+$0x0] =	vst.idx.msk $0xffff, v9  }
0xe9: {  	v10 =	vld [tilespmem:s17+$0x50];
	_ =	sdelay $0x4  }
0xea: {  	v10 =	vand.u32 $0x7F, v10  }
0xeb: {  	v10 =	vor.u32 v6, v10;
	_ =	sdelay $0x4  }
0xec: {  	[tilespmem:v10+s10+$0x0] =	vst.idx.msk $0xffff, v9  }
0xed: {  	v10 =	vld [tilespmem:s17+$0x60];
	_ =	sdelay $0x4  }
0xee: {  	v10 =	vand.u32 $0x7F, v10  }
0xef: {  	v10 =	vor.u32 v7, v10;
	_ =	sdelay $0x4  }
0xf0: {  	[tilespmem:v10+s10+$0x0] =	vst.idx.msk $0xffff, v9  }
0xf1: {  	v10 =	vld [tilespmem:s17+$0x70];
	_ =	sdelay $0x4  }
0xf2: {  	v10 =	vand.u32 $0x7F, v10  }
0xf3: {  	p1 =	sne.s32 s16, $0x9E00;
	v10 =	vor.u32 v8, v10  }
.Ltmp3:
0xf4: {  	_ = 	snop;
	(pc) =	sbr.rel @p1 .LBB2_8-.Ltmp3, $2  }
0xf5: {  	_ =	sdelay $0x2  }
0xf6: {  	s16 =	sadd.s32 $0x200, s16;
	[tilespmem:v10+s10+$0x0] =	vst.idx.msk $0xffff, v9  }
0xf7: {  	s15 =	sadd.s32 $0x1, s15  }
0xf8: {  	p1 =	sne.s32 s15, s9  }
.Ltmp4:
0xf9: {  	[bflag:$0x0] =	sbarrier.arrive $0xFFFF;
	s16 =	simm.s32 @!p0 $0x1;
	(pc) =	sbr.rel @p1 .LBB2_1-.Ltmp4, $4  }
0xfa: {  	[hbm:s8], [sflag:s12] =	dma.local @!p0 [spmem:s13], $0x80  }
0xfb: {  	_ =	swait.ge @!p0 [sflag:s16], $0x80  }
0xfc: {  	[sflag:s16] =	ssyncset.done @!p0 $0x0  }
0xfd: {  	[sflag:s16] =	ssyncadd.s32 @!p0 $0xFFFFFF80  }
0xfe: {  	_ =	sfence.sel $0x180000  }
0xff: {  	[bflag:$0x0] =	sbarrier.arrive $0xFFFF  }
0x100: {  	p0 =	sne.s32 s2, $0x0;
	_ =	strace $0x90000047  }
0x101: {  	s0 =	sadd.s32 @!p0 $0x100000, s0;
	[bflag:$0x2] =	sbarrier.arrive $0xFFFF  }
0x102: {  	[sflag:s0] =	ssyncadd.tile.s32 @!p0 $0x1;
	_ =	shalt  }
.Lfunc_end2:
_tile_overlayer_lowered:
.L_overlay_start_2:
0x103: {  	(tag) =	ssettag $0x2  }
0x104: {  	s0 =	rddreg [dreg:$0x0];
	s2 =	stileid.u32  }
0x105: {  	s1 =	rddreg [dreg:$0x1];
	p0 =	sne.s32 s2, $0x0  }
0x106: {  	s3 =	rddreg [dreg:$0x2];
	[bflag:$0x3] =	sbarrier.arrive $0xFFFF;
	s2 =	simm.s32 @!p0 $0x1C01  }
0x107: {  	[timem:s3], [sflag:s2] =	dma.local @!p0 [hbm:s0], s1  }
0x108: {  	s0 =	simm.s32 @!p0 $0x1  }
0x109: {  	_ =	swait.ge @!p0 [sflag:s0], s1  }
0x10a: {  	s1 =	ssub.s32 @!p0 $0x0, s1;
	[sflag:s0] =	ssyncset.done @!p0 $0x0  }
0x10b: {  	[sflag:s0] =	ssyncadd.s32 @!p0 s1  }
0x10c: {  	[bflag:$0x3] =	sbarrier.arrive $0xFFFF  }
0x10d: {  	_ =	shalt  }

// kernel: kernel.9.cloned.1.call-start
scs
__scs_entry_jumppad:
0x0: {  	(pc) =	sbr.rel $0x88, $3  }
0x1: {  	(tag) =	ssettag $0x0;
	lr =	simm.s32 $0x1  }
0x2: {  	[smem:$0x3F99] =	sst lr;
	_ =	strace $0xD0000000  }
0x3: {  	_ = 	snop  }
0x4: {  	_ = 	snop  }
0x5: {  	_ = 	snop  }
0x6: {  	_ = 	snop  }
0x7: {  	_ = 	snop  }
__scs_overlays_trampoline_lowered:
0x8: {  	[smem:$0x3FA8] =	sst s0  }
0x9: {  	[smem:$0x3FA9] =	sst s1  }
0xa: {  	[smem:$0x3FAA] =	sst s2  }
0xb: {  	[smem:$0x3FAB] =	sst s3  }
0xc: {  	[smem:$0x3FAC] =	sst s4  }
0xd: {  	[smem:$0x3FAD] =	sst s5  }
0xe: {  	[smem:$0x3FAE] =	sst s6  }
0xf: {  	[smem:$0x3FAF] =	sst s7  }
0x10: {  	[smem:$0x3FB0] =	sst s8  }
0x11: {  	[smem:$0x3FB1] =	sst s9;
	s0 =	simm.s32 @!p0 $0x0  }
0x12: {  	s1 =	sld [smem:$0x3F97];
	s0 =	simm.s32 @p0 $0x1  }
0x13: {  	[smem:$0x3FB2] =	sst s0;
	s0 =	simm.s32 @!p1 $0x0  }
0x14: {  	s2 =	sld [smem:$0x3F96];
	s0 =	simm.s32 @p1 $0x1  }
0x15: {  	[smem:$0x3FB3] =	sst s0;
	s0 =	simm.s32 @!p2 $0x0  }
0x16: {  	s3 =	sld [smem:$0x3FDB];
	s0 =	simm.s32 @p2 $0x1  }
0x17: {  	s4 =	simm.s32 $0x1BF5;
	[smem:$0x3FB5] =	sst s0  }
0x18: {  	s0 =	sld [smem:$0x3F98];
	_ =	swait.ge [sflag:s4], $0x0  }
0x19: {  	s7 =	sld [smem:$0x3F99]  }
0x1a: {  	s8 =	sadd.s32 $0xFFFFE003, lr  }
0x1b: {  	s9 =	sadd.s32 $0xFFFFFEF7, lr;
	s5 =	simm.s32 $0xFFFFFFFF;
	p2 =	slt.u32 s8, $0xFFFFF086  }
0x1c: {  	p1 =	slt.u32 s9, $0xF7A;
	s5 =	simm.s32 @!p2 $0x0  }
0x1d: {  	s5 =	simm.s32 @p1 $0x1;
	p0 =	seq.s32 s7, s2  }
0x1e: {  	s7 =	smul.u32 @!p0 $0xF7A, s2;
	p2 =	seq.s32 @!p0 s5, $0x0  }
0x1f: {  	s9 =	smul.u32 $0xF7A, s1;
	s8 =	simm.s32 @!p0 $0x1BF5;
	p2 =	por !p2, p0  }
0x20: {  	[sflag:s8] =	ssyncset.s32 @!p0 $0xFFFFF086;
	s6 =	sadd.s32 @!p0 s3, s7;
	s7 =	simm.s32 @!p0 $0x108  }
0x21: {  	s3 =	sadd.s32 s3, s9;
	s6 =	sadd.s32 @!p0 $0x88, s6;
	s7 =	simm.s32 @p2 $0x1082  }
0x22: {  	[simem:s7], [sflag:s8] =	dma.local @!p0 [hbm:s6], $0xF7A  }
0x23: {  	s9 =	sor.u32 $0xD0000000, s2;
	s6 =	simm.s32 $0x108;
	_ =	swait.ge @!p0 [sflag:s8], $0x0  }
0x24: {  	s3 =	sadd.s32 $0x88, s3;
	s6 =	simm.s32 @!p1 $0x1082;
	[sflag:s4] =	ssyncset.s32 $0xFFFFF086  }
0x25: {  	[simem:s6], [sflag:s4] =	dma.local [hbm:s3], $0xF7A  }
0x26: {  	[smem:$0x3F99] =	sst s1;
	(tag) =	ssettag s2;
	_ =	strace s9  }
0x27: {  	s1 =	sld [smem:$0x3FA9]  }
0x28: {  	s2 =	sld [smem:$0x3FAA]  }
0x29: {  	s4 =	sld [smem:$0x3FAC]  }
0x2a: {  	p0 =	seq.s32 s5, $0x0;
	s5 =	sld [smem:$0x3FAD]  }
0x2b: {  	s6 =	sld [smem:$0x3FAE]  }
0x2c: {  	s7 =	sld [smem:$0x3FAF]  }
0x2d: {  	s3 =	simm.s32 $0x108;
	s8 =	sld [smem:$0x3FB0]  }
0x2e: {  	s3 =	simm.s32 @!p0 $0x1082;
	s9 =	sld [smem:$0x3FB1]  }
0x2f: {  	lr =	sadd.s32 s0, s3;
	s0 =	sld [smem:$0x3FA8]  }
0x30: {  	s3 =	sld [smem:$0x3FAB]  }
0x31: {  	[smem:$0x3FB4] =	sst s10  }
0x32: {  	s10 =	sld [smem:$0x3FB2];
	_ =	sdelay $0x3  }
0x33: {  	p0 =	seq.s32 s10, $0x1;
	s10 =	sld [smem:$0x3FB4];
	_ =	sdelay $0x3  }
0x34: {  	[smem:$0x3FB4] =	sst s10  }
0x35: {  	s10 =	sld [smem:$0x3FB3];
	_ =	sdelay $0x3  }
0x36: {  	p1 =	seq.s32 s10, $0x1;
	s10 =	sld [smem:$0x3FB4];
	_ =	sdelay $0x3  }
0x37: {  	[smem:$0x3FB4] =	sst s10  }
0x38: {  	s10 =	sld [smem:$0x3FB5]  }
0x39: {  	_ = 	snop;
	(pc) =	sbr.ind lr, $3  }
0x3a: {  	_ = 	snop  }
0x3b: {  	_ = 	snop  }
0x3c: {  	p2 =	seq.s32 s10, $0x1;
	s10 =	sld [smem:$0x3FB4]  }
0x3d: {  	_ =	shalt  }
0x3e: {  	_ =	shalt  }
0x3f: {  	_ =	shalt  }
0x40: {  	_ =	shalt  }
0x41: {  	_ =	shalt  }
0x42: {  	_ =	shalt  }
0x43: {  	_ =	shalt  }
0x44: {  	_ =	shalt  }
0x45: {  	_ =	shalt  }
0x46: {  	_ =	shalt  }
0x47: {  	_ =	shalt  }
0x48: {  	_ =	shalt  }
0x49: {  	_ =	shalt  }
0x4a: {  	_ =	shalt  }
0x4b: {  	_ =	shalt  }
0x4c: {  	_ =	shalt  }
0x4d: {  	_ =	shalt  }
0x4e: {  	_ =	shalt  }
0x4f: {  	_ =	shalt  }
0x50: {  	_ =	shalt  }
0x51: {  	_ =	shalt  }
0x52: {  	_ =	shalt  }
0x53: {  	_ =	shalt  }
0x54: {  	_ =	shalt  }
0x55: {  	_ =	shalt  }
0x56: {  	_ =	shalt  }
0x57: {  	_ =	shalt  }
0x58: {  	_ =	shalt  }
0x59: {  	_ =	shalt  }
0x5a: {  	_ =	shalt  }
0x5b: {  	_ =	shalt  }
0x5c: {  	_ =	shalt  }
0x5d: {  	_ =	shalt  }
0x5e: {  	_ =	shalt  }
0x5f: {  	_ =	shalt  }
0x60: {  	_ =	shalt  }
0x61: {  	_ =	shalt  }
0x62: {  	_ =	shalt  }
0x63: {  	_ =	shalt  }
0x64: {  	_ =	shalt  }
0x65: {  	_ =	shalt  }
0x66: {  	_ =	shalt  }
0x67: {  	_ =	shalt  }
0x68: {  	_ =	shalt  }
0x69: {  	_ =	shalt  }
0x6a: {  	_ =	shalt  }
0x6b: {  	_ =	shalt  }
0x6c: {  	_ =	shalt  }
0x6d: {  	_ =	shalt  }
0x6e: {  	_ =	shalt  }
0x6f: {  	_ =	shalt  }
0x70: {  	_ =	shalt  }
0x71: {  	_ =	shalt  }
0x72: {  	_ =	shalt  }
0x73: {  	_ =	shalt  }
0x74: {  	_ =	shalt  }
0x75: {  	_ =	shalt  }
0x76: {  	_ =	shalt  }
0x77: {  	_ =	shalt  }
0x78: {  	_ =	shalt  }
0x79: {  	_ =	shalt  }
0x7a: {  	_ =	shalt  }
0x7b: {  	_ =	shalt  }
0x7c: {  	_ =	shalt  }
0x7d: {  	_ =	shalt  }
0x7e: {  	_ =	shalt  }
0x7f: {  	_ =	shalt  }
0x80: {  	_ =	shalt  }
0x81: {  	_ =	shalt  }
0x82: {  	_ =	shalt  }
0x83: {  	_ =	shalt  }
0x84: {  	_ =	shalt  }
0x85: {  	_ =	shalt  }
0x86: {  	_ =	shalt  }
0x87: {  	_ =	shalt  }
.Lfunc_end0:
.L_simem_size_0:
called_computation.1_lowered:
.L_overlay_start_0:
0x88: {  	s2 =	sld [smem:$0x3FD9]  }
0x89: {  	s3 =	sld [smem:$0x3FFE];
	_ =	sdelay $0x1  }
0x8a: {  	s1 =	srdreg.scid  }
0x8b: {  	s0 =	sand.u32 $0x1, s1  }
0x8c: {  	s14 =	sshll.u32 s0, $0xA;
	s2 =	sadd.s32 s3, s2  }
0x8d: {  	s2 =	sadd.s32 s2, s14  }
0x8e: {  	[smem:$0x3FC0] =	sst s2  }
0x8f: {  	_ = 	snop  }
0x90: {  	s2 =	sld [smem:$0x3FD0];
	_ =	sdelay $0x2  }
0x91: {  	s15 =	simm.s32 $0xA;
	s4 =	simm.s32 $0x10  }
0x92: {  	[smem:s4], [sflag:s15] =	dma.local [hbm:s2], $0x1  }
0x93: {  	_ =	swait.eq [sflag:s15], $0x1  }
0x94: {  	s16 =	sld [smem:$0x10];
	[sflag:s15] =	ssyncset.done $0x0  }
0x95: {  	s17 =	sld [smem:$0x11];
	[sflag:s15] =	ssyncadd.s32 $0xFFFFFFFF  }
0x96: {  	s18 =	sld [smem:$0x12];
	(tm) =	ssettm $0x1  }
0x97: {  	s5 =	sld [smem:$0x3FFB];
	_ =	sdelay $0x3  }
0x98: {  	_ =	strace s5  }
0x99: {  	s5 =	sld [smem:$0x3FFC];
	_ =	sdelay $0x3  }
0x9a: {  	_ =	strace s5  }
0x9b: {  	s5 =	sld [smem:$0x3FFD];
	_ =	sdelay $0x3  }
0x9c: {  	_ =	strace s5  }
0x9d: {  	_ =	strace $0x8FFFFFFF  }
0x9e: {  	s19 =	sld [smem:$0x3FDB];
	_ =	sdelay $0x1  }
0x9f: {  	s6 =	simm.s32 $_scs_section_size  }
0xa0: {  	s7 =	simm.s32 $_size__tile_overlayer_lowered;
	s8 =	simm.s32 $_tile_overlayer_lowered  }
0xa1: {  	s22 =	simm.s32 $0x1BFF;
	s21 =	sshll.u32 s8, $0x1;
	s5 =	sadd.s32 s6, s19  }
0xa2: {  	s9 =	simm.s32 $0x0;
	s20 =	sshll.u32 s7, $0x1;
	s7 =	sadd.s32 s21, s5  }
0xa3: {  	[timem:s9], [sflag:s22] =	dma.local [hbm:s7], s20  }
0xa4: {  	_ =	swait.ge [sflag:s22], s20  }
0xa5: {  	s6 =	ssub.s32 $0x0, s20;
	[sflag:s22] =	ssyncset.done $0x0  }
0xa6: {  	[sflag:s22] =	ssyncadd.s32 s6;
	_ =	sdelay $0x1  }
0xa7: {  	s23 =	simm.s32 $0x1B8B  }
0xa8: {  	_ =	swait.ge [sflag:s23], $0x1  }
0xa9: {  	[sflag:s23] =	ssyncset.done $0x0  }
0xaa: {  	s25 =	simm.s32 $0x1B8E;
	s24 =	sld [smem:$0x3FFE];
	[sflag:s23] =	ssyncadd.s32 $0xFFFFFFFF  }
0xab: {  	s26 =	simm.s32 $execute0_lowered;
	[smem:$0x3FD2] =	sst s25  }
0xac: {  	s7 =	sshll.u32 s26, $0x1;
	_ =	strace $0x80000049;
	[dreg:$0x1] =	wrdreg $0xFFFFFFFF  }
0xad: {  	s28 =	simm.s32 $_size_execute0_lowered;
	s5 =	sadd.s32 s5, s7;
	[dreg:$0x0] =	wrdreg $0x0  }
0xae: {  	s7 =	sshll.u32 s28, $0x1;
	[dreg:$0x2] =	wrdreg s5  }
0xaf: {  	[dreg:$0x3] =	wrdreg s7  }
0xb0: {  	[dreg:$0x4] =	wrdreg $0xC0  }
0xb1: {  	_ =	task [dreg:s9], $0x5FFFF  }
0xb2: {  	[dreg:$0x1] =	wrdreg $0xFFFFFFFF  }
0xb3: {  	[dreg:$0x0] =	wrdreg $0x60  }
0xb4: {  	[dreg:$0x2] =	wrdreg s24  }
0xb5: {  	[dreg:$0x3] =	wrdreg s16  }
0xb6: {  	[dreg:$0x4] =	wrdreg s18  }
0xb7: {  	[dreg:$0x5] =	wrdreg s17  }
0xb8: {  	[dreg:$0x6] =	wrdreg $0x90000  }
0xb9: {  	[dreg:$0x7] =	wrdreg $0x9  }
0xba: {  	_ =	task.clear_ibuf [dreg:s9], $0x8FFFF;
	_ =	strace $0x90000049  }
0xbb: {  	s29 =	simm.s32 $0x9;
	_ =	strace $0x8000004B  }
0xbc: {  	_ =	swait.ge [sflag:s29], $0x1  }
0xbd: {  	[sflag:s29] =	ssyncadd.s32 $0xFFFFFFFF  }
0xbe: {  	_ =	strace $0x9000004B  }
0xbf: {  	_ =	sfence  }
0xc0: {  	s30 =	sld [smem:$0x0];
	_ =	sdelay $0x2  }
0xc1: {  	s31 =	sshll.u32 s1, $0xD;
	s1 =	sshrl.u32 s1, $0x2  }
0xc2: {  	s3 =	sand.u32 $0x4000, s31;
	s1 =	sadd.s32 s1, s30  }
0xc3: {  	s0 =	sor.u32 s3, s0;
	s1 =	sshll.u32 s1, $0x11  }
0xc4: {  	s0 =	sor.u32 s1, s0  }
0xc5: {  	s0 =	sadd.s32 $0x8F2B, s0  }
0xc6: {  	[sflag:s0] =	ssyncadd.remote.s32 $0x1  }
0xc7: {  	_ =	sfence.sel $0xFFFF  }
0xc8: {  	[dreg:$0x0] =	wrdreg $0xFFFFFFFF;
	(pc) =	sbr.abs _section_cstart, $3  }
0xc9: {  	[dreg:$0x1] =	wrdreg $0xFFFFFFFF  }
0xca: {  	_ =	task.clear_ibuf [dreg:s9], $0x2FFFF;
	_ =	strace $0x9FFFFFFF  }
0xcb: {  	(tm) =	ssettm $0x7FFFFFFF  }
tec
execute0_lowered:
.L_overlay_start_1:
0x0: {  	(tag) =	ssettag $0x1  }
0x1: {  	s9 =	rddreg [dreg:$0x0]  }
0x2: {  	s1 =	rddreg [dreg:$0x1]  }
0x3: {  	s2 =	rddreg [dreg:$0x2]  }
0x4: {  	s3 =	rddreg [dreg:$0x3]  }
0x5: {  	s4 =	rddreg [dreg:$0x4];
	s5 =	srdreg.scid  }
0x6: {  	s0 =	rddreg [dreg:$0x5];
	s6 =	simm.s32 $0x0;
	s15 =	simm.s32 $0x1  }
0x7: {  	s16 =	simm.s32 $0x2800;
	s17 =	simm.s32 $0x80;
	s18 =	simm.s32 $0x5000  }
0x8: {  	s7 =	sand.u32 $0x1, s5;
	[smem:$0x7FF] =	sst s6;
	s5 =	stileid.u32  }
0x9: {  	s8 =	sadd.s32 $0xA2200, s9;
	s10 =	ssub.s32 $0x2, s7;
	s12 =	smul.u32 $0x4F000, s5  }
0xa: {  	s9 =	sadd.s32 $0x1E2200, s9;
	_ =	strace $0x8000004A;
	s11 =	sshrl.u32 s10, $0x1  }
0xb: {  	s31 =	sshll.u32 s5, $0x6;
	s13 =	ssub.s32 s10, s11;
	s30 =	sshrl.u32 s12, $0x2  }
0xc: {  	s10 =	smul.u32 $0x278, s5;
	s11 =	sor.u32 $0x1C01, s31;
	s14 =	sadd.s32 s30, s4  }
0xd: {  	s12 =	smul.u32 $0x50, s5;
	s13 =	smax.u32 s13, $0x1;
	s14 =	sshrl.u32 s14, $0x3  }
.LBB2_1:
0xe: {  	s19 =	simm.s32 $0x0  }
.LBB2_2:
0xf: {  	s20 =	sshll.u32 s19, $0x1  }
0x10: {  	s20 =	sor.u32 s7, s20  }
0x11: {  	s21 =	smul.u32 $0x500, s20  }
0x12: {  	[spmem:s14], [sflag:s11] =	dma.local [hbm:s3], $0x2780  }
0x13: {  	_ =	swait.ge [sflag:s15], $0x2780;
	s21 =	sadd.s32 s12, s21  }
0x14: {  	s22 =	simm.s32 $0x0;
	[sflag:s15] =	ssyncset.done $0x0;
	s21 =	sshll.u32 s21, $0x4  }
0x15: {  	s23 =	smul.u32 $0x500, s19;
	[sflag:s15] =	ssyncadd.s32 $0xFFFFD880;
	s21 =	sadd.s32 s1, s21  }
0x16: {  	[tilespmem:s22], [sflag:$0x1] =	stream.linear.gather [hbm4b:s21+s22], $0x2800, $0x38;
	[tilespmem:$0x1CC00] =	vst v63  }
0x17: {  	s29 =	sadd.s32 s12, s23;
	_ =	swait.ge [sflag:s15], $0x2800  }
0x18: {  	s21 =	sshll.u32 s29, $0x4;
	[sflag:s15] =	ssyncset.done $0x0  }
0x19: {  	s21 =	sadd.s32 s2, s21;
	[sflag:s15] =	ssyncadd.s32 $0xFFFFD800  }
0x1a: {  	[tilespmem:s16], [sflag:$0x1] =	stream.linear.gather [hbm4b:s21+s22], $0x2800, $0x38;
	[tilespmem:$0x1CC00] =	vst v63  }
0x1b: {  	_ =	swait.ge [sflag:s15], $0x2800  }
0x1c: {  	[sflag:s15] =	ssyncset.done $0x0  }
0x1d: {  	[sflag:s15] =	ssyncadd.s32 $0xFFFFD800  }
0x1e: {  	s30 =	simm.s32 $0x0;
	[bflag:$0x0] =	sbarrier.arrive $0xFFFF  }
0x1f: {  	[tilespmem:s18], [sflag:$0x1] =	stream.indirect.gather [hbm4b:s8+s17], $0x80, s30, s17, $0xb8;
	[tilespmem:$0x1CC00] =	vst v63  }
0x20: {  	_ =	swait.ge [sflag:s15], $0x4000  }
0x21: {  	[sflag:s15] =	ssyncset.done $0x0  }
0x22: {  	s31 =	simm.s32 $0x2800;
	[sflag:s15] =	ssyncadd.s32 $0xFFFFC000  }
0x23: {  	[spmem:s4] =	stream.indirect.scatter.add.f32 [tilespmem:s18], [sflag:$0x1], $0x80, s31, s17, $0xb8;
	[tilespmem:$0x1CC00] =	vst v63  }
0x24: {  	_ =	swait.ge [sflag:s15], $0x4000  }
0x25: {  	s21 =	simm.s32 $0x200;
	s22 =	simm.s32 $0x400;
	[sflag:s15] =	ssyncset.done $0x0  }
.LBB2_3:
0x26: {  	s23 =	sshra.s32 s21, $0x2  }
0x27: {  	[sflag:s15] =	ssyncadd.s32 $0xFFFFC000;
	s21 =	smov.u32 s22;
	s24 =	sadd.s32 $0x200, s22  }
0x28: {  	[tilespmem:s18], [sflag:$0x1] =	stream.indirect.gather [hbm4b:s8+s17], $0x80, s23, s17, $0xb8;
	[tilespmem:$0x1CC00] =	vst v63  }
0x29: {  	p0 =	sne.s32 s22, $0x9E00;
	_ =	swait.ge [sflag:s15], $0x4000  }
.Ltmp0:
0x2a: {  	[sflag:s15] =	ssyncset.done $0x0;
	(pc) =	sbr.rel @p0 .LBB2_3-.Ltmp0, $4  }
0x2b: {  	s22 =	sadd.s32 $0x2800, s23;
	[sflag:s15] =	ssyncadd.s32 $0xFFFFC000  }
0x2c: {  	[spmem:s4] =	stream.indirect.scatter.add.f32 [tilespmem:s18], [sflag:$0x1], $0x80, s22, s17, $0xb8;
	[tilespmem:$0x1CC00] =	vst v63  }
0x2d: {  	_ =	swait.ge [sflag:s15], $0x4000  }
0x2e: {  	s22 =	smov.u32 s24;
	[sflag:s15] =	ssyncset.done $0x0  }
0x2f: {  	s21 =	sshra.s32 s21, $0x2;
	[sflag:s15] =	ssyncadd.s32 $0xFFFFC000  }
0x30: {  	[tilespmem:s18], [sflag:$0x1] =	stream.indirect.gather [hbm4b:s8+s17], $0x80, s21, s17, $0xb8;
	[tilespmem:$0x1CC00] =	vst v63  }
0x31: {  	_ =	swait.ge [sflag:s15], $0x4000  }
0x32: {  	[sflag:s15] =	ssyncset.done $0x0  }
0x33: {  	s20 =	smul.u32 $0x2780, s20;
	s21 =	sadd.s32 $0x2800, s21;
	[sflag:s15] =	ssyncadd.s32 $0xFFFFC000  }
0x34: {  	[spmem:s4] =	stream.indirect.scatter.add.f32 [tilespmem:s18], [sflag:$0x1], $0x80, s21, s17, $0xb8;
	[tilespmem:$0x1CC00] =	vst v63  }
0x35: {  	_ =	swait.ge [sflag:s15], $0x4000  }
0x36: {  	s19 =	sadd.s32 $0x1, s19;
	s20 =	sadd.s32 s10, s20;
	[sflag:s15] =	ssyncset.done $0x0  }
0x37: {  	p0 =	sne.s32 s19, $0x4;
	s20 =	sshll.u32 s20, $0x4;
	[sflag:s15] =	ssyncadd.s32 $0xFFFFC000  }
.Ltmp1:
0x38: {  	s20 =	sadd.s32 s9, s20;
	[bflag:$0x0] =	sbarrier.arrive $0xFFFF;
	(pc) =	sbr.rel @p0 .LBB2_2-.Ltmp1, $4  }
0x39: {  	[hbm:s20], [sflag:s11] =	dma.local [spmem:s14], $0x2780  }
0x3a: {  	_ =	swait.ge [sflag:s15], $0x2780  }
0x3b: {  	[sflag:s15] =	ssyncset.done $0x0  }
0x3c: {  	[sflag:s15] =	ssyncadd.s32 $0xFFFFD880  }
0x3d: {  	s6 =	sadd.s32 $0x1, s6  }
0x3e: {  	p0 =	sne.s32 s6, s13  }
.Ltmp2:
0x3f: {  	_ = 	snop;
	(pc) =	sbr.rel @p0 .LBB2_1-.Ltmp2, $1  }
0x40: {  	_ =	sdelay $0x3  }
0x41: {  	_ =	sfence.sel $0x180000  }
0x42: {  	[bflag:$0x0] =	sbarrier.arrive $0xFFFF  }
0x43: {  	p0 =	sne.s32 s5, $0x0;
	_ =	strace $0x9000004A  }
0x44: {  	s0 =	sadd.s32 @!p0 $0x100000, s0;
	[bflag:$0x2] =	sbarrier.arrive $0xFFFF  }
0x45: {  	[sflag:s0] =	ssyncadd.tile.s32 @!p0 $0x1;
	_ =	shalt  }
.Lfunc_end2:
_tile_overlayer_lowered:
.L_overlay_start_2:
0x46: {  	(tag) =	ssettag $0x2  }
0x47: {  	s0 =	rddreg [dreg:$0x0];
	s2 =	stileid.u32  }
0x48: {  	s1 =	rddreg [dreg:$0x1];
	p0 =	sne.s32 s2, $0x0  }
0x49: {  	s3 =	rddreg [dreg:$0x2];
	[bflag:$0x3] =	sbarrier.arrive $0xFFFF;
	s2 =	simm.s32 @!p0 $0x1C01  }
0x4a: {  	[timem:s3], [sflag:s2] =	dma.local @!p0 [hbm:s0], s1  }
0x4b: {  	s0 =	simm.s32 @!p0 $0x1  }
0x4c: {  	_ =	swait.ge @!p0 [sflag:s0], s1  }
0x4d: {  	s1 =	ssub.s32 @!p0 $0x0, s1;
	[sflag:s0] =	ssyncset.done @!p0 $0x0  }
0x4e: {  	[sflag:s0] =	ssyncadd.s32 @!p0 s1  }
0x4f: {  	[bflag:$0x3] =	sbarrier.arrive $0xFFFF  }
0x50: {  	_ =	shalt  }

</sc_bundles>
